<compile_context>
chip_gen: v7x
topology: tpu7x:2x2x1
jax: 0.10.2.dev20260603
libtpu: 0.0.44.dev20260713+nightly
codegen_flags: <defaults>
</compile_context>

<pallas_src>
import jax
import jax.numpy as jnp
import numpy as np
from jax import lax
from jax.experimental import pallas as pl
from jax.experimental.pallas import tpu as pltpu
from jax.experimental.pallas import tpu_sc as plsc

N = 10000
E = 320000
D = 128
EPS = 1e-5

NC = 2
NS = 16
L = 128
IB = 16
NB = 10
CHUNKS = IB * NB
EPT = CHUNKS * L
EP = NS * EPT
PAD = EP - E
NP = 10112
RPT = NP // NS
CW = 16
DA = D + CW
PKW = D // 2

BLK = 1000

_PERM = np.empty((D,), np.int32)
for _j in range(4):
    for _k in range(16):
        _PERM[32 * _j + 2 * _k] = 16 * _j + _k
        _PERM[32 * _j + 2 * _k + 1] = 64 + 16 * _j + _k


def _sc_body(xn, xc, snn, dnn, scn, dcn, o_nn, o_cn,
             acc, sidx, didx, pk0, pk1, fb, g0, g1, sc):
    c = lax.axis_index("c")
    s = lax.axis_index("s")
    base = s * RPT
    zero16 = jnp.zeros((16,), jnp.float32)
    one16 = jnp.ones((16,), jnp.float32)

    @pl.loop(0, L)
    def _(i):
        for j in range(DA // 16):
            fb[i, pl.ds(16 * j, 16)] = zero16

    for k in range(RPT // L):
        pltpu.sync_copy(fb, acc.at[pl.ds(base + k * L, L)])
    tail = RPT % L
    if tail:
        pltpu.sync_copy(fb.at[pl.ds(0, tail)],
                        acc.at[pl.ds(base + (RPT // L) * L, tail)])

    @pl.loop(0, L)
    def _(i):
        fb[i, pl.ds(D, CW)] = one16

    plsc.subcore_barrier()

    def convert(pk):
        @pl.loop(0, L)
        def _(i):
            for j in range(4):
                v = pk[i, pl.ds(16 * j, 16)]
                fb[i, pl.ds(16 * j, 16)] = lax.bitcast_convert_type(
                    v << 16, jnp.float32)
                fb[i, pl.ds(64 + 16 * j, 16)] = lax.bitcast_convert_type(
                    v & jnp.int32(-65536), jnp.float32)

    def run_type(src_r, dst_r, x_r):
        def wait_scatter():
            pltpu.make_async_copy(fb, acc.at[didx.at[0]], sc).wait()

        @pl.loop(0, NB)
        def _(b):
            pltpu.sync_copy(src_r.at[s, pl.ds(b * IB, IB)], sidx)
            pltpu.sync_copy(dst_r.at[s, pl.ds(b * IB, IB)], didx)
            pltpu.async_copy(x_r.at[sidx.at[0]], pk0, g0)

            @pl.loop(0, IB // 2)
            def _(h):
                a = 2 * h
                pltpu.make_async_copy(x_r.at[sidx.at[a]], pk0, g0).wait()
                pltpu.async_copy(x_r.at[sidx.at[a + 1]], pk1, g1)

                @pl.when(h > 0)
                def _():
                    wait_scatter()

                convert(pk0)
                pltpu.async_copy(fb, acc.at[didx.at[a]], sc, add=True)
                pltpu.make_async_copy(x_r.at[sidx.at[a + 1]], pk1, g1).wait()

                @pl.when(h < IB // 2 - 1)
                def _():
                    pltpu.async_copy(x_r.at[sidx.at[a + 2]], pk0, g0)

                wait_scatter()
                convert(pk1)
                pltpu.async_copy(fb, acc.at[didx.at[a + 1]], sc, add=True)

            wait_scatter()

    @pl.when(c == 0)
    def _():
        run_type(snn, dnn, xn)

    @pl.when(c == 1)
    def _():
        run_type(scn, dcn, xc)

    plsc.subcore_barrier()

    @pl.when(c == 0)
    def _():
        pltpu.sync_copy(acc.at[pl.ds(base, RPT)], o_nn.at[pl.ds(base, RPT)])

    @pl.when(c == 1)
    def _():
        pltpu.sync_copy(acc.at[pl.ds(base, RPT)], o_cn.at[pl.ds(base, RPT)])


_sc_aggregate = pl.kernel(
    _sc_body,
    out_type=(
        jax.ShapeDtypeStruct((NP, DA), jnp.float32),
        jax.ShapeDtypeStruct((NP, DA), jnp.float32),
    ),
    mesh=plsc.VectorSubcoreMesh(core_axis_name="c", subcore_axis_name="s",
                                num_cores=NC, num_subcores=NS),
    scratch_types=[
        pltpu.VMEM_SHARED((NP, DA), jnp.float32),
        pltpu.VMEM((IB, L), jnp.int32),
        pltpu.VMEM((IB, L), jnp.int32),
        pltpu.VMEM((L, PKW), jnp.int32),
        pltpu.VMEM((L, PKW), jnp.int32),
        pltpu.VMEM((L, DA), jnp.float32),
        pltpu.SemaphoreType.DMA,
        pltpu.SemaphoreType.DMA,
        pltpu.SemaphoreType.DMA,
    ],
    compiler_params=pltpu.CompilerParams(use_tc_tiling_on_sc=False),
)


def _tc_body(x, snn, scn, wlnn, wlcn, wrnn, wrcn, bnn, bcn, lnw, lnb, out):
    aggn = snn[:, :D] / jnp.maximum(snn[:, D:D + 1], 1.0)
    aggc = scn[:, :D] / jnp.maximum(scn[:, D:D + 1], 1.0)
    h = (jnp.dot(aggn, wlnn[:], preferred_element_type=jnp.float32)
         + jnp.dot(aggc, wlcn[:], preferred_element_type=jnp.float32)
         + jnp.dot(x[:], wrnn[:] + wrcn[:], preferred_element_type=jnp.float32)
         + bnn[:] + bcn[:])
    h = jnp.maximum(h, 0.0)
    mu = jnp.mean(h, axis=1, keepdims=True)
    d = h - mu
    var = jnp.mean(d * d, axis=1, keepdims=True)
    out[:] = d * lax.rsqrt(var + EPS) * lnw[:] + lnb[:]


_row_spec = pl.BlockSpec((BLK, D), lambda i: (i, 0))
_agg_spec = pl.BlockSpec((BLK, DA), lambda i: (i, 0))
_w_spec = pl.BlockSpec((D, D), lambda i: (0, 0))
_v_spec = pl.BlockSpec((1, D), lambda i: (0, 0))

_tc_fuse = pl.pallas_call(
    _tc_body,
    grid=(N // BLK,),
    in_specs=[_row_spec, _agg_spec, _agg_spec,
              _w_spec, _w_spec, _w_spec, _w_spec,
              _v_spec, _v_spec, _v_spec, _v_spec],
    out_specs=_row_spec,
    out_shape=jax.ShapeDtypeStruct((N, D), jnp.float32),
)


def _prep_edges(ei):
    src = ei[0].astype(jnp.int32)
    dst = ei[1].astype(jnp.int32)
    src = jnp.concatenate([src, jnp.zeros((PAD,), jnp.int32)])
    dst = jnp.concatenate([dst, jnp.full((PAD,), N, jnp.int32)])
    return src.reshape(NS, CHUNKS, L), dst.reshape(NS, CHUNKS, L)


def _pack_x(x):
    xb = x[:, _PERM].astype(jnp.bfloat16)
    return jax.lax.bitcast_convert_type(xb.reshape(N, PKW, 2), jnp.int32)


def kernel(x_node, x_ctx, edge_index_nn, edge_index_cn,
           Wl_nn, Wr_nn, b_nn, Wl_cn, Wr_cn, b_cn, ln_w, ln_b):
    snn, dnn = _prep_edges(edge_index_nn)
    scn, dcn = _prep_edges(edge_index_cn)
    s_nn, s_cn = _sc_aggregate(_pack_x(x_node), _pack_x(x_ctx),
                               snn, dnn, scn, dcn)
    return _tc_fuse(x_node, s_nn, s_cn,
                    Wl_nn, Wl_cn, Wr_nn, Wr_cn,
                    b_nn.reshape(1, D), b_cn.reshape(1, D),
                    ln_w.reshape(1, D), ln_b.reshape(1, D))

# --- scband reference (transcript-rebuilt; emitter-appended) ---
"""Pipeline reference for scband-hetero-forecast-sage-conv-5592047419483 (READ-ONLY COPY).

The authoritative reference and input builder live on the scoring server;
editing this copy changes nothing except your own understanding.
"""

import jax, jax.numpy as jnp
import numpy as np

N = 10000
E = 320000
D = 128
EPS = 1e-5


def sage_mean(x_src, edge_index, n_dst):
    src = edge_index[0]
    dst = edge_index[1]
    msgs = jnp.take(x_src, src, axis=0)
    s = jax.ops.segment_sum(msgs, dst, num_segments=n_dst)
    cnt = jax.ops.segment_sum(jnp.ones((src.shape[0],), x_src.dtype), dst, num_segments=n_dst)
    return s / jnp.clip(cnt, 1.0, None)[:, None]


def setup_inputs(seed: int = 0):
    key = jax.random.key(seed)
    ks = jax.random.split(key, 12)
    scale = 1.0 / np.sqrt(D)
    return {
        "x_node": jax.random.normal(ks[0], (N, D), jnp.float32),
        "x_ctx": jax.random.normal(ks[1], (N, D), jnp.float32),
        "edge_index_nn": jax.random.randint(ks[2], (2, E), 0, N),
        "edge_index_cn": jax.random.randint(ks[3], (2, E), 0, N),
        "Wl_nn": jax.random.normal(ks[4], (D, D), jnp.float32) * scale,
        "Wr_nn": jax.random.normal(ks[5], (D, D), jnp.float32) * scale,
        "b_nn": jnp.zeros((D,), jnp.float32),
        "Wl_cn": jax.random.normal(ks[6], (D, D), jnp.float32) * scale,
        "Wr_cn": jax.random.normal(ks[7], (D, D), jnp.float32) * scale,
        "b_cn": jnp.zeros((D,), jnp.float32),
        "ln_w": jnp.ones((D,), jnp.float32),
        "ln_b": jnp.zeros((D,), jnp.float32),
    }


def reference(x_node, x_ctx, edge_index_nn, edge_index_cn, Wl_nn, Wr_nn, b_nn, Wl_cn, Wr_cn, b_cn, ln_w, ln_b):
    # SAGEConv (node, to, node): mean-aggregated neighbors -> lin_l (with bias) + lin_r(x_dst)
    agg_nn = sage_mean(x_node, edge_index_nn, N)
    out_nn = agg_nn @ Wl_nn + b_nn + x_node @ Wr_nn
    # SAGEConv (ctx, to, node)
    agg_cn = sage_mean(x_ctx, edge_index_cn, N)
    out_cn = agg_cn @ Wl_cn + b_cn + x_node @ Wr_cn
    # HeteroConv default aggr='sum' across edge types targeting 'node'
    h = out_nn + out_cn
    # dropout (identity at inference) -> relu -> LayerNorm(mode='node') with affine
    h = jax.nn.relu(h)
    mu = jnp.mean(h, axis=-1, keepdims=True)
    var = jnp.var(h, axis=-1, keepdims=True)
    out = (h - mu) / jnp.sqrt(var + EPS) * ln_w + ln_b
    return out

if __name__ == "__main__":
    import jax
    _d = setup_inputs()
    print(jax.jit(kernel)(*tuple(_d.values())))

</pallas_src>

<mosaic_0001>
#map = affine_map<(d0, d1) -> (0, 0)>
#map1 = affine_map<(d0, d1) -> (0, 0, 0)>
module attributes {stable_mosaic.version = 14 : i64} {
  func.func @_sc_body(%arg0: i32, %arg1: i32, %arg2: memref<10000x64xi32, #tpu.memory_space<hbm>>, %arg3: memref<10000x64xi32, #tpu.memory_space<hbm>>, %arg4: memref<16x160x128xi32, #tpu.memory_space<hbm>>, %arg5: memref<16x160x128xi32, #tpu.memory_space<hbm>>, %arg6: memref<16x160x128xi32, #tpu.memory_space<hbm>>, %arg7: memref<16x160x128xi32, #tpu.memory_space<hbm>>, %arg8: memref<10112x144xf32, #tpu.memory_space<hbm>>, %arg9: memref<10112x144xf32, #tpu.memory_space<hbm>>, %arg10: memref<10112x144xf32, #tpu.memory_space<vmem_shared>>, %arg11: memref<16x128xi32, #tpu.memory_space<vmem>>, %arg12: memref<16x128xi32, #tpu.memory_space<vmem>>, %arg13: memref<128x64xi32, #tpu.memory_space<vmem>>, %arg14: memref<128x64xi32, #tpu.memory_space<vmem>>, %arg15: memref<128x144xf32, #tpu.memory_space<vmem>>, %arg16: memref<!tpu.dma_semaphore, #tpu.memory_space<semaphore_mem>>, %arg17: memref<!tpu.dma_semaphore, #tpu.memory_space<semaphore_mem>>, %arg18: memref<!tpu.dma_semaphore, #tpu.memory_space<semaphore_mem>>) attributes {dimension_semantics = [#tpu.dimension_semantics<core_parallel>, #tpu.dimension_semantics<subcore_parallel>], iteration_bounds = array<i64: 2, 16>, scalar_prefetch = 0 : i64, scratch_operands = 9 : i64, tpu.core_type = #tpu.core_type<sc_vector_subcore>, window_params = [{transform_indices = #map}, {transform_indices = #map}, {transform_indices = #map1}, {transform_indices = #map1}, {transform_indices = #map1}, {transform_indices = #map1}, {transform_indices = #map}, {transform_indices = #map}]} {
    %mul3A = arith.constant 632 : i32
    %mul3A_0 = arith.muli %arg1, %mul3A : i32
    %broadcast_in_dim3A = arith.constant 0.000000e+00 : f32
    %broadcast_in_dim3A_1 = vector.broadcast %broadcast_in_dim3A : f32 to vector<16xf32>
    %broadcast_in_dim3A_2 = arith.constant 1.000000e+00 : f32
    %broadcast_in_dim3A_3 = vector.broadcast %broadcast_in_dim3A_2 : f32 to vector<16xf32>
    %scan3A = arith.constant 0 : i32
    %scan3A_4 = arith.constant 128 : i32
    %scan3A_5 = arith.addi %scan3A, %scan3A_4 : i32
    %scan3A_6 = arith.constant 1 : i32
    scf.for %scan3A_40 = %scan3A to %scan3A_5 step %scan3A_6  : i32 {
      %mul3A_41 = arith.constant 1 : i32
      %mul3A_42 = arith.muli %scan3A_40, %mul3A_41 : i32
      %add3A_43 = arith.constant 0 : i32
      %add3A_44 = arith.addi %add3A_43, %mul3A_42 : i32
      %swap3A = arith.index_cast %add3A_44 : i32 to index
      %swap3A_45 = arith.constant 0 : index
      %swap3A_46 = tpu.vector_load %arg15[%swap3A, %swap3A_45] {strides = array<i32>} : memref<128x144xf32, #tpu.memory_space<vmem>>, vector<1x16xf32>,
      %swap3A_47 = vector.shape_cast %swap3A_46 : vector<1x16xf32> to vector<16xf32>
      %swap3A_48 = vector.shape_cast %broadcast_in_dim3A_1 : vector<16xf32> to vector<1x16xf32>
      tpu.vector_store %arg15[%swap3A, %swap3A_45], %swap3A_48 {strides = array<i32>} : memref<128x144xf32, #tpu.memory_space<vmem>>, vector<1x16xf32>,
      %swap3A_49 = arith.index_cast %add3A_44 : i32 to index
      %swap3A_50 = arith.constant 16 : index
      %swap3A_51 = tpu.vector_load %arg15[%swap3A_49, %swap3A_50] {strides = array<i32>} : memref<128x144xf32, #tpu.memory_space<vmem>>, vector<1x16xf32>,
      %swap3A_52 = vector.shape_cast %swap3A_51 : vector<1x16xf32> to vector<16xf32>
      %swap3A_53 = vector.shape_cast %broadcast_in_dim3A_1 : vector<16xf32> to vector<1x16xf32>
      tpu.vector_store %arg15[%swap3A_49, %swap3A_50], %swap3A_53 {strides = array<i32>} : memref<128x144xf32, #tpu.memory_space<vmem>>, vector<1x16xf32>,
      %swap3A_54 = arith.index_cast %add3A_44 : i32 to index
      %swap3A_55 = arith.constant 32 : index
      %swap3A_56 = tpu.vector_load %arg15[%swap3A_54, %swap3A_55] {strides = array<i32>} : memref<128x144xf32, #tpu.memory_space<vmem>>, vector<1x16xf32>,
      %swap3A_57 = vector.shape_cast %swap3A_56 : vector<1x16xf32> to vector<16xf32>
      %swap3A_58 = vector.shape_cast %broadcast_in_dim3A_1 : vector<16xf32> to vector<1x16xf32>
      tpu.vector_store %arg15[%swap3A_54, %swap3A_55], %swap3A_58 {strides = array<i32>} : memref<128x144xf32, #tpu.memory_space<vmem>>, vector<1x16xf32>,
      %swap3A_59 = arith.index_cast %add3A_44 : i32 to index
      %swap3A_60 = arith.constant 48 : index
      %swap3A_61 = tpu.vector_load %arg15[%swap3A_59, %swap3A_60] {strides = array<i32>} : memref<128x144xf32, #tpu.memory_space<vmem>>, vector<1x16xf32>,
      %swap3A_62 = vector.shape_cast %swap3A_61 : vector<1x16xf32> to vector<16xf32>
      %swap3A_63 = vector.shape_cast %broadcast_in_dim3A_1 : vector<16xf32> to vector<1x16xf32>
      tpu.vector_store %arg15[%swap3A_59, %swap3A_60], %swap3A_63 {strides = array<i32>} : memref<128x144xf32, #tpu.memory_space<vmem>>, vector<1x16xf32>,
      %swap3A_64 = arith.index_cast %add3A_44 : i32 to index
      %swap3A_65 = arith.constant 64 : index
      %swap3A_66 = tpu.vector_load %arg15[%swap3A_64, %swap3A_65] {strides = array<i32>} : memref<128x144xf32, #tpu.memory_space<vmem>>, vector<1x16xf32>,
      %swap3A_67 = vector.shape_cast %swap3A_66 : vector<1x16xf32> to vector<16xf32>
      %swap3A_68 = vector.shape_cast %broadcast_in_dim3A_1 : vector<16xf32> to vector<1x16xf32>
      tpu.vector_store %arg15[%swap3A_64, %swap3A_65], %swap3A_68 {strides = array<i32>} : memref<128x144xf32, #tpu.memory_space<vmem>>, vector<1x16xf32>,
      %swap3A_69 = arith.index_cast %add3A_44 : i32 to index
      %swap3A_70 = arith.constant 80 : index
      %swap3A_71 = tpu.vector_load %arg15[%swap3A_69, %swap3A_70] {strides = array<i32>} : memref<128x144xf32, #tpu.memory_space<vmem>>, vector<1x16xf32>,
      %swap3A_72 = vector.shape_cast %swap3A_71 : vector<1x16xf32> to vector<16xf32>
      %swap3A_73 = vector.shape_cast %broadcast_in_dim3A_1 : vector<16xf32> to vector<1x16xf32>
      tpu.vector_store %arg15[%swap3A_69, %swap3A_70], %swap3A_73 {strides = array<i32>} : memref<128x144xf32, #tpu.memory_space<vmem>>, vector<1x16xf32>,
      %swap3A_74 = arith.index_cast %add3A_44 : i32 to index
      %swap3A_75 = arith.constant 96 : index
      %swap3A_76 = tpu.vector_load %arg15[%swap3A_74, %swap3A_75] {strides = array<i32>} : memref<128x144xf32, #tpu.memory_space<vmem>>, vector<1x16xf32>,
      %swap3A_77 = vector.shape_cast %swap3A_76 : vector<1x16xf32> to vector<16xf32>
      %swap3A_78 = vector.shape_cast %broadcast_in_dim3A_1 : vector<16xf32> to vector<1x16xf32>
      tpu.vector_store %arg15[%swap3A_74, %swap3A_75], %swap3A_78 {strides = array<i32>} : memref<128x144xf32, #tpu.memory_space<vmem>>, vector<1x16xf32>,
      %swap3A_79 = arith.index_cast %add3A_44 : i32 to index
      %swap3A_80 = arith.constant 112 : index
      %swap3A_81 = tpu.vector_load %arg15[%swap3A_79, %swap3A_80] {strides = array<i32>} : memref<128x144xf32, #tpu.memory_space<vmem>>, vector<1x16xf32>,
      %swap3A_82 = vector.shape_cast %swap3A_81 : vector<1x16xf32> to vector<16xf32>
      %swap3A_83 = vector.shape_cast %broadcast_in_dim3A_1 : vector<16xf32> to vector<1x16xf32>
      tpu.vector_store %arg15[%swap3A_79, %swap3A_80], %swap3A_83 {strides = array<i32>} : memref<128x144xf32, #tpu.memory_space<vmem>>, vector<1x16xf32>,
      %swap3A_84 = arith.index_cast %add3A_44 : i32 to index
      %swap3A_85 = arith.constant 128 : index
      %swap3A_86 = tpu.vector_load %arg15[%swap3A_84, %swap3A_85] {strides = array<i32>} : memref<128x144xf32, #tpu.memory_space<vmem>>, vector<1x16xf32>,
      %swap3A_87 = vector.shape_cast %swap3A_86 : vector<1x16xf32> to vector<16xf32>
      %swap3A_88 = vector.shape_cast %broadcast_in_dim3A_1 : vector<16xf32> to vector<1x16xf32>
      tpu.vector_store %arg15[%swap3A_84, %swap3A_85], %swap3A_88 {strides = array<i32>} : memref<128x144xf32, #tpu.memory_space<vmem>>, vector<1x16xf32>,
    }
    %scan3A_7 = arith.constant 128 : i32
    %add3A = arith.constant 0 : i32
    %add3A_8 = arith.addi %mul3A_0, %add3A : i32
    "tpu.region"() ({
      %run_scoped3A = tpu.sem_alloc : memref<!tpu.dma_semaphore, #tpu.memory_space<semaphore_mem>>
      %dma_start3A = arith.constant 0 : i32
      %dma_start3A_40 = tpu.memref_slice %arg10[%add3A_8, %dma_start3A] : memref<10112x144xf32, #tpu.memory_space<vmem_shared>> -> memref<128x144xf32, #tpu.memory_space<vmem_shared>>
      %dma_start3A_41 = arith.constant 0 : i32
      %dma_start3A_42 = tpu.memref_slice %arg10[%add3A_8, %dma_start3A_41] : memref<10112x144xf32, #tpu.memory_space<vmem_shared>> -> memref<128x144xf32, #tpu.memory_space<vmem_shared>>
      tpu.enqueue_dma source(%arg15 : memref<128x144xf32, #tpu.memory_space<vmem>>) target(%dma_start3A_42 : memref<128x144xf32, #tpu.memory_space<vmem_shared>>) target_semaphore(%run_scoped3A : memref<!tpu.dma_semaphore, #tpu.memory_space<semaphore_mem>>)
      %dma_wait3A = arith.constant 0 : i32
      %dma_wait3A_43 = tpu.memref_slice %arg10[%add3A_8, %dma_wait3A] : memref<10112x144xf32, #tpu.memory_space<vmem_shared>> -> memref<128x144xf32, #tpu.memory_space<vmem_shared>>
      %dma_wait3A_44 = arith.constant 0 : i32
      %dma_wait3A_45 = tpu.memref_slice %arg10[%add3A_8, %dma_wait3A_44] : memref<10112x144xf32, #tpu.memory_space<vmem_shared>> -> memref<128x144xf32, #tpu.memory_space<vmem_shared>>
      tpu.wait_dma2 semaphore(%run_scoped3A : memref<!tpu.dma_semaphore, #tpu.memory_space<semaphore_mem>>) src(%arg15 : memref<128x144xf32, #tpu.memory_space<vmem>>) dst(%dma_wait3A_45 : memref<128x144xf32, #tpu.memory_space<vmem_shared>>)
      tpu.yield
    }) : () -> ()
    %add3A_9 = arith.constant 128 : i32
    %add3A_10 = arith.addi %mul3A_0, %add3A_9 : i32
    "tpu.region"() ({
      %run_scoped3A = tpu.sem_alloc : memref<!tpu.dma_semaphore, #tpu.memory_space<semaphore_mem>>
      %dma_start3A = arith.constant 0 : i32
      %dma_start3A_40 = tpu.memref_slice %arg10[%add3A_10, %dma_start3A] : memref<10112x144xf32, #tpu.memory_space<vmem_shared>> -> memref<128x144xf32, #tpu.memory_space<vmem_shared>>
      %dma_start3A_41 = arith.constant 0 : i32
      %dma_start3A_42 = tpu.memref_slice %arg10[%add3A_10, %dma_start3A_41] : memref<10112x144xf32, #tpu.memory_space<vmem_shared>> -> memref<128x144xf32, #tpu.memory_space<vmem_shared>>
      tpu.enqueue_dma source(%arg15 : memref<128x144xf32, #tpu.memory_space<vmem>>) target(%dma_start3A_42 : memref<128x144xf32, #tpu.memory_space<vmem_shared>>) target_semaphore(%run_scoped3A : memref<!tpu.dma_semaphore, #tpu.memory_space<semaphore_mem>>)
      %dma_wait3A = arith.constant 0 : i32
      %dma_wait3A_43 = tpu.memref_slice %arg10[%add3A_10, %dma_wait3A] : memref<10112x144xf32, #tpu.memory_space<vmem_shared>> -> memref<128x144xf32, #tpu.memory_space<vmem_shared>>
      %dma_wait3A_44 = arith.constant 0 : i32
      %dma_wait3A_45 = tpu.memref_slice %arg10[%add3A_10, %dma_wait3A_44] : memref<10112x144xf32, #tpu.memory_space<vmem_shared>> -> memref<128x144xf32, #tpu.memory_space<vmem_shared>>
      tpu.wait_dma2 semaphore(%run_scoped3A : memref<!tpu.dma_semaphore, #tpu.memory_space<semaphore_mem>>) src(%arg15 : memref<128x144xf32, #tpu.memory_space<vmem>>) dst(%dma_wait3A_45 : memref<128x144xf32, #tpu.memory_space<vmem_shared>>)
      tpu.yield
    }) : () -> ()
    %add3A_11 = arith.constant 256 : i32
    %add3A_12 = arith.addi %mul3A_0, %add3A_11 : i32
    "tpu.region"() ({
      %run_scoped3A = tpu.sem_alloc : memref<!tpu.dma_semaphore, #tpu.memory_space<semaphore_mem>>
      %dma_start3A = arith.constant 0 : i32
      %dma_start3A_40 = tpu.memref_slice %arg10[%add3A_12, %dma_start3A] : memref<10112x144xf32, #tpu.memory_space<vmem_shared>> -> memref<128x144xf32, #tpu.memory_space<vmem_shared>>
      %dma_start3A_41 = arith.constant 0 : i32
      %dma_start3A_42 = tpu.memref_slice %arg10[%add3A_12, %dma_start3A_41] : memref<10112x144xf32, #tpu.memory_space<vmem_shared>> -> memref<128x144xf32, #tpu.memory_space<vmem_shared>>
      tpu.enqueue_dma source(%arg15 : memref<128x144xf32, #tpu.memory_space<vmem>>) target(%dma_start3A_42 : memref<128x144xf32, #tpu.memory_space<vmem_shared>>) target_semaphore(%run_scoped3A : memref<!tpu.dma_semaphore, #tpu.memory_space<semaphore_mem>>)
      %dma_wait3A = arith.constant 0 : i32
      %dma_wait3A_43 = tpu.memref_slice %arg10[%add3A_12, %dma_wait3A] : memref<10112x144xf32, #tpu.memory_space<vmem_shared>> -> memref<128x144xf32, #tpu.memory_space<vmem_shared>>
      %dma_wait3A_44 = arith.constant 0 : i32
      %dma_wait3A_45 = tpu.memref_slice %arg10[%add3A_12, %dma_wait3A_44] : memref<10112x144xf32, #tpu.memory_space<vmem_shared>> -> memref<128x144xf32, #tpu.memory_space<vmem_shared>>
      tpu.wait_dma2 semaphore(%run_scoped3A : memref<!tpu.dma_semaphore, #tpu.memory_space<semaphore_mem>>) src(%arg15 : memref<128x144xf32, #tpu.memory_space<vmem>>) dst(%dma_wait3A_45 : memref<128x144xf32, #tpu.memory_space<vmem_shared>>)
      tpu.yield
    }) : () -> ()
    %add3A_13 = arith.constant 384 : i32
    %add3A_14 = arith.addi %mul3A_0, %add3A_13 : i32
    "tpu.region"() ({
      %run_scoped3A = tpu.sem_alloc : memref<!tpu.dma_semaphore, #tpu.memory_space<semaphore_mem>>
      %dma_start3A = arith.constant 0 : i32
      %dma_start3A_40 = tpu.memref_slice %arg10[%add3A_14, %dma_start3A] : memref<10112x144xf32, #tpu.memory_space<vmem_shared>> -> memref<128x144xf32, #tpu.memory_space<vmem_shared>>
      %dma_start3A_41 = arith.constant 0 : i32
      %dma_start3A_42 = tpu.memref_slice %arg10[%add3A_14, %dma_start3A_41] : memref<10112x144xf32, #tpu.memory_space<vmem_shared>> -> memref<128x144xf32, #tpu.memory_space<vmem_shared>>
      tpu.enqueue_dma source(%arg15 : memref<128x144xf32, #tpu.memory_space<vmem>>) target(%dma_start3A_42 : memref<128x144xf32, #tpu.memory_space<vmem_shared>>) target_semaphore(%run_scoped3A : memref<!tpu.dma_semaphore, #tpu.memory_space<semaphore_mem>>)
      %dma_wait3A = arith.constant 0 : i32
      %dma_wait3A_43 = tpu.memref_slice %arg10[%add3A_14, %dma_wait3A] : memref<10112x144xf32, #tpu.memory_space<vmem_shared>> -> memref<128x144xf32, #tpu.memory_space<vmem_shared>>
      %dma_wait3A_44 = arith.constant 0 : i32
      %dma_wait3A_45 = tpu.memref_slice %arg10[%add3A_14, %dma_wait3A_44] : memref<10112x144xf32, #tpu.memory_space<vmem_shared>> -> memref<128x144xf32, #tpu.memory_space<vmem_shared>>
      tpu.wait_dma2 semaphore(%run_scoped3A : memref<!tpu.dma_semaphore, #tpu.memory_space<semaphore_mem>>) src(%arg15 : memref<128x144xf32, #tpu.memory_space<vmem>>) dst(%dma_wait3A_45 : memref<128x144xf32, #tpu.memory_space<vmem_shared>>)
      tpu.yield
    }) : () -> ()
    %add3A_15 = arith.constant 512 : i32
    %add3A_16 = arith.addi %mul3A_0, %add3A_15 : i32
    "tpu.region"() ({
      %run_scoped3A = tpu.sem_alloc : memref<!tpu.dma_semaphore, #tpu.memory_space<semaphore_mem>>
      %dma_start3A = arith.constant 0 : i32
      %dma_start3A_40 = arith.constant 0 : i32
      %dma_start3A_41 = tpu.memref_slice %arg15[%dma_start3A, %dma_start3A_40] : memref<128x144xf32, #tpu.memory_space<vmem>> -> memref<120x144xf32, #tpu.memory_space<vmem>>
      %dma_start3A_42 = arith.constant 0 : i32
      %dma_start3A_43 = tpu.memref_slice %arg10[%add3A_16, %dma_start3A_42] : memref<10112x144xf32, #tpu.memory_space<vmem_shared>> -> memref<120x144xf32, #tpu.memory_space<vmem_shared>>
      %dma_start3A_44 = arith.constant 0 : i32
      %dma_start3A_45 = tpu.memref_slice %arg10[%add3A_16, %dma_start3A_44] : memref<10112x144xf32, #tpu.memory_space<vmem_shared>> -> memref<120x144xf32, #tpu.memory_space<vmem_shared>>
      %dma_start3A_46 = arith.constant 0 : i32
      %dma_start3A_47 = arith.constant 0 : i32
      %dma_start3A_48 = tpu.memref_slice %arg15[%dma_start3A_46, %dma_start3A_47] : memref<128x144xf32, #tpu.memory_space<vmem>> -> memref<120x144xf32, #tpu.memory_space<vmem>>
      tpu.enqueue_dma source(%dma_start3A_48 : memref<120x144xf32, #tpu.memory_space<vmem>>) target(%dma_start3A_45 : memref<120x144xf32, #tpu.memory_space<vmem_shared>>) target_semaphore(%run_scoped3A : memref<!tpu.dma_semaphore, #tpu.memory_space<semaphore_mem>>)
      %dma_wait3A = arith.constant 0 : i32
      %dma_wait3A_49 = arith.constant 0 : i32
      %dma_wait3A_50 = tpu.memref_slice %arg15[%dma_wait3A, %dma_wait3A_49] : memref<128x144xf32, #tpu.memory_space<vmem>> -> memref<120x144xf32, #tpu.memory_space<vmem>>
      %dma_wait3A_51 = arith.constant 0 : i32
      %dma_wait3A_52 = tpu.memref_slice %arg10[%add3A_16, %dma_wait3A_51] : memref<10112x144xf32, #tpu.memory_space<vmem_shared>> -> memref<120x144xf32, #tpu.memory_space<vmem_shared>>
      %dma_wait3A_53 = arith.constant 0 : i32
      %dma_wait3A_54 = tpu.memref_slice %arg10[%add3A_16, %dma_wait3A_53] : memref<10112x144xf32, #tpu.memory_space<vmem_shared>> -> memref<120x144xf32, #tpu.memory_space<vmem_shared>>
      %dma_wait3A_55 = arith.constant 0 : i32
      %dma_wait3A_56 = arith.constant 0 : i32
      %dma_wait3A_57 = tpu.memref_slice %arg15[%dma_wait3A_55, %dma_wait3A_56] : memref<128x144xf32, #tpu.memory_space<vmem>> -> memref<120x144xf32, #tpu.memory_space<vmem>>
      tpu.wait_dma2 semaphore(%run_scoped3A : memref<!tpu.dma_semaphore, #tpu.memory_space<semaphore_mem>>) src(%dma_wait3A_57 : memref<120x144xf32, #tpu.memory_space<vmem>>) dst(%dma_wait3A_54 : memref<120x144xf32, #tpu.memory_space<vmem_shared>>)
      tpu.yield
    }) : () -> ()
    %scan3A_17 = arith.constant 0 : i32
    %scan3A_18 = arith.constant 128 : i32
    %scan3A_19 = arith.addi %scan3A_17, %scan3A_18 : i32
    %scan3A_20 = arith.constant 1 : i32
    scf.for %scan3A_40 = %scan3A_17 to %scan3A_19 step %scan3A_20  : i32 {
      %mul3A_41 = arith.constant 1 : i32
      %mul3A_42 = arith.muli %scan3A_40, %mul3A_41 : i32
      %add3A_43 = arith.constant 0 : i32
      %add3A_44 = arith.addi %add3A_43, %mul3A_42 : i32
      %swap3A = arith.index_cast %add3A_44 : i32 to index
      %swap3A_45 = arith.constant 128 : index
      %swap3A_46 = tpu.vector_load %arg15[%swap3A, %swap3A_45] {strides = array<i32>} : memref<128x144xf32, #tpu.memory_space<vmem>>, vector<1x16xf32>,
      %swap3A_47 = vector.shape_cast %swap3A_46 : vector<1x16xf32> to vector<16xf32>
      %swap3A_48 = vector.shape_cast %broadcast_in_dim3A_3 : vector<16xf32> to vector<1x16xf32>
      tpu.vector_store %arg15[%swap3A, %swap3A_45], %swap3A_48 {strides = array<i32>} : memref<128x144xf32, #tpu.memory_space<vmem>>, vector<1x16xf32>,
    }
    %scan3A_21 = arith.constant 128 : i32
    %barrier3A = arith.constant 0 : index
    tpu.barrier barrier_id(%barrier3A)
    %eq3A = arith.constant 0 : i32
    %eq3A_22 = arith.cmpi eq, %arg0, %eq3A : i32
    %convert_element_type3A = arith.extui %eq3A_22 : i1 to i32
    %cond3A = arith.constant 0 : i32
    %cond3A_23 = arith.cmpi ne, %convert_element_type3A, %cond3A : i32
    scf.if %cond3A_23 {
      %scan3A_40 = arith.constant 0 : i32
      %scan3A_41 = arith.constant 10 : i32
      %scan3A_42 = arith.addi %scan3A_40, %scan3A_41 : i32
      %scan3A_43 = arith.constant 1 : i32
      scf.for %scan3A_45 = %scan3A_40 to %scan3A_42 step %scan3A_43  : i32 {
        %mul3A_46 = arith.constant 1 : i32
        %mul3A_47 = arith.muli %scan3A_45, %mul3A_46 : i32
        %add3A_48 = arith.constant 0 : i32
        %add3A_49 = arith.addi %add3A_48, %mul3A_47 : i32
        %mul3A_50 = arith.constant 16 : i32
        %mul3A_51 = arith.muli %add3A_49, %mul3A_50 : i32
        "tpu.region"() ({
          %run_scoped3A = tpu.sem_alloc : memref<!tpu.dma_semaphore, #tpu.memory_space<semaphore_mem>>
          %dma_start3A_71 = arith.constant 0 : i32
          %dma_start3A_72 = tpu.memref_slice %arg4[%arg1, %mul3A_51, %dma_start3A_71] : memref<16x160x128xi32, #tpu.memory_space<hbm>> -> memref<1x16x128xi32, #tpu.memory_space<hbm>>
          %dma_start3A_73 = tpu.memref_squeeze %dma_start3A_72 : memref<1x16x128xi32, #tpu.memory_space<hbm>> -> memref<16x128xi32, #tpu.memory_space<hbm>>
          %dma_start3A_74 = arith.constant 0 : i32
          %dma_start3A_75 = tpu.memref_slice %arg4[%arg1, %mul3A_51, %dma_start3A_74] : memref<16x160x128xi32, #tpu.memory_space<hbm>> -> memref<1x16x128xi32, #tpu.memory_space<hbm>>
          %dma_start3A_76 = tpu.memref_squeeze %dma_start3A_75 : memref<1x16x128xi32, #tpu.memory_space<hbm>> -> memref<16x128xi32, #tpu.memory_space<hbm>>
          tpu.enqueue_dma source(%dma_start3A_76 : memref<16x128xi32, #tpu.memory_space<hbm>>) target(%arg11 : memref<16x128xi32, #tpu.memory_space<vmem>>) target_semaphore(%run_scoped3A : memref<!tpu.dma_semaphore, #tpu.memory_space<semaphore_mem>>)
          %dma_wait3A_77 = arith.constant 0 : i32
          %dma_wait3A_78 = tpu.memref_slice %arg4[%arg1, %mul3A_51, %dma_wait3A_77] : memref<16x160x128xi32, #tpu.memory_space<hbm>> -> memref<1x16x128xi32, #tpu.memory_space<hbm>>
          %dma_wait3A_79 = tpu.memref_squeeze %dma_wait3A_78 : memref<1x16x128xi32, #tpu.memory_space<hbm>> -> memref<16x128xi32, #tpu.memory_space<hbm>>
          %dma_wait3A_80 = arith.constant 0 : i32
          %dma_wait3A_81 = tpu.memref_slice %arg4[%arg1, %mul3A_51, %dma_wait3A_80] : memref<16x160x128xi32, #tpu.memory_space<hbm>> -> memref<1x16x128xi32, #tpu.memory_space<hbm>>
          %dma_wait3A_82 = tpu.memref_squeeze %dma_wait3A_81 : memref<1x16x128xi32, #tpu.memory_space<hbm>> -> memref<16x128xi32, #tpu.memory_space<hbm>>
          tpu.wait_dma2 semaphore(%run_scoped3A : memref<!tpu.dma_semaphore, #tpu.memory_space<semaphore_mem>>) src(%dma_wait3A_82 : memref<16x128xi32, #tpu.memory_space<hbm>>) dst(%arg11 : memref<16x128xi32, #tpu.memory_space<vmem>>)
          tpu.yield
        }) : () -> ()
        %mul3A_52 = arith.constant 16 : i32
        %mul3A_53 = arith.muli %add3A_49, %mul3A_52 : i32
        "tpu.region"() ({
          %run_scoped3A = tpu.sem_alloc : memref<!tpu.dma_semaphore, #tpu.memory_space<semaphore_mem>>
          %dma_start3A_71 = arith.constant 0 : i32
          %dma_start3A_72 = tpu.memref_slice %arg5[%arg1, %mul3A_53, %dma_start3A_71] : memref<16x160x128xi32, #tpu.memory_space<hbm>> -> memref<1x16x128xi32, #tpu.memory_space<hbm>>
          %dma_start3A_73 = tpu.memref_squeeze %dma_start3A_72 : memref<1x16x128xi32, #tpu.memory_space<hbm>> -> memref<16x128xi32, #tpu.memory_space<hbm>>
          %dma_start3A_74 = arith.constant 0 : i32
          %dma_start3A_75 = tpu.memref_slice %arg5[%arg1, %mul3A_53, %dma_start3A_74] : memref<16x160x128xi32, #tpu.memory_space<hbm>> -> memref<1x16x128xi32, #tpu.memory_space<hbm>>
          %dma_start3A_76 = tpu.memref_squeeze %dma_start3A_75 : memref<1x16x128xi32, #tpu.memory_space<hbm>> -> memref<16x128xi32, #tpu.memory_space<hbm>>
          tpu.enqueue_dma source(%dma_start3A_76 : memref<16x128xi32, #tpu.memory_space<hbm>>) target(%arg12 : memref<16x128xi32, #tpu.memory_space<vmem>>) target_semaphore(%run_scoped3A : memref<!tpu.dma_semaphore, #tpu.memory_space<semaphore_mem>>)
          %dma_wait3A_77 = arith.constant 0 : i32
          %dma_wait3A_78 = tpu.memref_slice %arg5[%arg1, %mul3A_53, %dma_wait3A_77] : memref<16x160x128xi32, #tpu.memory_space<hbm>> -> memref<1x16x128xi32, #tpu.memory_space<hbm>>
          %dma_wait3A_79 = tpu.memref_squeeze %dma_wait3A_78 : memref<1x16x128xi32, #tpu.memory_space<hbm>> -> memref<16x128xi32, #tpu.memory_space<hbm>>
          %dma_wait3A_80 = arith.constant 0 : i32
          %dma_wait3A_81 = tpu.memref_slice %arg5[%arg1, %mul3A_53, %dma_wait3A_80] : memref<16x160x128xi32, #tpu.memory_space<hbm>> -> memref<1x16x128xi32, #tpu.memory_space<hbm>>
          %dma_wait3A_82 = tpu.memref_squeeze %dma_wait3A_81 : memref<1x16x128xi32, #tpu.memory_space<hbm>> -> memref<16x128xi32, #tpu.memory_space<hbm>>
          tpu.wait_dma2 semaphore(%run_scoped3A : memref<!tpu.dma_semaphore, #tpu.memory_space<semaphore_mem>>) src(%dma_wait3A_82 : memref<16x128xi32, #tpu.memory_space<hbm>>) dst(%arg12 : memref<16x128xi32, #tpu.memory_space<vmem>>)
          tpu.yield
        }) : () -> ()
        %dma_start3A = arith.constant 0 : i32
        %dma_start3A_54 = arith.constant 0 : i32
        %dma_start3A_55 = tpu.memref_slice %arg11[%dma_start3A, %dma_start3A_54] : memref<16x128xi32, #tpu.memory_space<vmem>> -> memref<1x128xi32, #tpu.memory_space<vmem>>
        %dma_start3A_56 = tpu.memref_squeeze %dma_start3A_55 : memref<1x128xi32, #tpu.memory_space<vmem>> -> memref<128xi32, #tpu.memory_space<vmem>>
        %dma_start3A_57 = arith.constant 0 : i32
        %dma_start3A_58 = arith.constant 0 : i32
        %dma_start3A_59 = tpu.memref_slice %arg2[%dma_start3A_57, %dma_start3A_58] : memref<10000x64xi32, #tpu.memory_space<hbm>> -> memref<10000x64xi32, #tpu.memory_space<hbm>>
        tpu.enqueue_indirect_dma source(%dma_start3A_59 : memref<10000x64xi32, #tpu.memory_space<hbm>>) target(%arg13 : memref<128x64xi32, #tpu.memory_space<vmem>>) offsets(%dma_start3A_56 : memref<128xi32, #tpu.memory_space<vmem>>) semaphore(%arg16 : memref<!tpu.dma_semaphore, #tpu.memory_space<semaphore_mem>>)
        %scan3A_60 = arith.constant 0 : i32
        %scan3A_61 = arith.constant 8 : i32
        %scan3A_62 = arith.addi %scan3A_60, %scan3A_61 : i32
        %scan3A_63 = arith.constant 1 : i32
        scf.for %scan3A_71 = %scan3A_60 to %scan3A_62 step %scan3A_63  : i32 {
          %mul3A_72 = arith.constant 1 : i32
          %mul3A_73 = arith.muli %scan3A_71, %mul3A_72 : i32
          %add3A_74 = arith.constant 0 : i32
          %add3A_75 = arith.addi %add3A_74, %mul3A_73 : i32
          %mul3A_76 = arith.constant 2 : i32
          %mul3A_77 = arith.muli %mul3A_76, %add3A_75 : i32
          %dma_wait3A_78 = arith.constant 0 : i32
          %dma_wait3A_79 = tpu.memref_slice %arg11[%mul3A_77, %dma_wait3A_78] : memref<16x128xi32, #tpu.memory_space<vmem>> -> memref<1x128xi32, #tpu.memory_space<vmem>>
          %dma_wait3A_80 = tpu.memref_squeeze %dma_wait3A_79 : memref<1x128xi32, #tpu.memory_space<vmem>> -> memref<128xi32, #tpu.memory_space<vmem>>
          %dma_wait3A_81 = arith.constant 0 : i32
          %dma_wait3A_82 = arith.constant 0 : i32
          %dma_wait3A_83 = tpu.memref_slice %arg2[%dma_wait3A_81, %dma_wait3A_82] : memref<10000x64xi32, #tpu.memory_space<hbm>> -> memref<10000x64xi32, #tpu.memory_space<hbm>>
          tpu.wait_indirect_dma semaphore(%arg16 : memref<!tpu.dma_semaphore, #tpu.memory_space<semaphore_mem>>) src(%dma_wait3A_83 : memref<10000x64xi32, #tpu.memory_space<hbm>>) dst(%arg13 : memref<128x64xi32, #tpu.memory_space<vmem>>)
          %add3A_84 = arith.constant 1 : i32
          %add3A_85 = arith.addi %mul3A_77, %add3A_84 : i32
          %dma_start3A_86 = arith.constant 0 : i32
          %dma_start3A_87 = tpu.memref_slice %arg11[%add3A_85, %dma_start3A_86] : memref<16x128xi32, #tpu.memory_space<vmem>> -> memref<1x128xi32, #tpu.memory_space<vmem>>
          %dma_start3A_88 = tpu.memref_squeeze %dma_start3A_87 : memref<1x128xi32, #tpu.memory_space<vmem>> -> memref<128xi32, #tpu.memory_space<vmem>>
          %dma_start3A_89 = arith.constant 0 : i32
          %dma_start3A_90 = arith.constant 0 : i32
          %dma_start3A_91 = tpu.memref_slice %arg2[%dma_start3A_89, %dma_start3A_90] : memref<10000x64xi32, #tpu.memory_space<hbm>> -> memref<10000x64xi32, #tpu.memory_space<hbm>>
          tpu.enqueue_indirect_dma source(%dma_start3A_91 : memref<10000x64xi32, #tpu.memory_space<hbm>>) target(%arg14 : memref<128x64xi32, #tpu.memory_space<vmem>>) offsets(%dma_start3A_88 : memref<128xi32, #tpu.memory_space<vmem>>) semaphore(%arg17 : memref<!tpu.dma_semaphore, #tpu.memory_space<semaphore_mem>>)
          %gt3A = arith.constant 0 : i32
          %gt3A_92 = arith.cmpi sgt, %add3A_75, %gt3A : i32
          %convert_element_type3A_93 = arith.extui %gt3A_92 : i1 to i32
          %cond3A_94 = arith.constant 0 : i32
          %cond3A_95 = arith.cmpi ne, %convert_element_type3A_93, %cond3A_94 : i32
          scf.if %cond3A_95 {
            %dma_wait3A_139 = arith.constant 0 : i32
            %dma_wait3A_140 = arith.constant 0 : i32
            %dma_wait3A_141 = tpu.memref_slice %arg12[%dma_wait3A_139, %dma_wait3A_140] : memref<16x128xi32, #tpu.memory_space<vmem>> -> memref<1x128xi32, #tpu.memory_space<vmem>>
            %dma_wait3A_142 = tpu.memref_squeeze %dma_wait3A_141 : memref<1x128xi32, #tpu.memory_space<vmem>> -> memref<128xi32, #tpu.memory_space<vmem>>
            %dma_wait3A_143 = arith.constant 0 : i32
            %dma_wait3A_144 = arith.constant 0 : i32
            %dma_wait3A_145 = tpu.memref_slice %arg10[%dma_wait3A_143, %dma_wait3A_144] : memref<10112x144xf32, #tpu.memory_space<vmem_shared>> -> memref<10112x144xf32, #tpu.memory_space<vmem_shared>>
            tpu.wait_indirect_dma semaphore(%arg18 : memref<!tpu.dma_semaphore, #tpu.memory_space<semaphore_mem>>) src(%arg15 : memref<128x144xf32, #tpu.memory_space<vmem>>) dst(%dma_wait3A_145 : memref<10112x144xf32, #tpu.memory_space<vmem_shared>>)
          } else {
          }
          %scan3A_96 = arith.constant 0 : i32
          %scan3A_97 = arith.constant 128 : i32
          %scan3A_98 = arith.addi %scan3A_96, %scan3A_97 : i32
          %scan3A_99 = arith.constant 1 : i32
          scf.for %scan3A_139 = %scan3A_96 to %scan3A_98 step %scan3A_99  : i32 {
            %mul3A_140 = arith.constant 1 : i32
            %mul3A_141 = arith.muli %scan3A_139, %mul3A_140 : i32
            %add3A_142 = arith.constant 0 : i32
            %add3A_143 = arith.addi %add3A_142, %mul3A_141 : i32
            %get3A = arith.index_cast %add3A_143 : i32 to index
            %get3A_144 = arith.constant 0 : index
            %get3A_145 = tpu.vector_load %arg13[%get3A, %get3A_144] {strides = array<i32>} : memref<128x64xi32, #tpu.memory_space<vmem>>, vector<1x16xi32>,
            %get3A_146 = vector.shape_cast %get3A_145 : vector<1x16xi32> to vector<16xi32>
            %shift_left3A = arith.constant 16 : i32
            %shift_left3A_147 = vector.broadcast %shift_left3A : i32 to vector<16xi32>
            %shift_left3A_148 = arith.shli %get3A_146, %shift_left3A_147 : vector<16xi32>
            %bitcast_convert_type3A = tpu.bitcast %shift_left3A_148 : vector<16xi32> -> vector<16xf32>
            %swap3A = arith.index_cast %add3A_143 : i32 to index
            %swap3A_149 = arith.constant 0 : index
            %swap3A_150 = tpu.vector_load %arg15[%swap3A, %swap3A_149] {strides = array<i32>} : memref<128x144xf32, #tpu.memory_space<vmem>>, vector<1x16xf32>,
            %swap3A_151 = vector.shape_cast %swap3A_150 : vector<1x16xf32> to vector<16xf32>
            %swap3A_152 = vector.shape_cast %bitcast_convert_type3A : vector<16xf32> to vector<1x16xf32>
            tpu.vector_store %arg15[%swap3A, %swap3A_149], %swap3A_152 {strides = array<i32>} : memref<128x144xf32, #tpu.memory_space<vmem>>, vector<1x16xf32>,
            %and3A = arith.constant -65536 : i32
            %and3A_153 = vector.broadcast %and3A : i32 to vector<16xi32>
            %and3A_154 = arith.andi %get3A_146, %and3A_153 : vector<16xi32>
            %bitcast_convert_type3A_155 = tpu.bitcast %and3A_154 : vector<16xi32> -> vector<16xf32>
            %swap3A_156 = arith.index_cast %add3A_143 : i32 to index
            %swap3A_157 = arith.constant 64 : index
            %swap3A_158 = tpu.vector_load %arg15[%swap3A_156, %swap3A_157] {strides = array<i32>} : memref<128x144xf32, #tpu.memory_space<vmem>>, vector<1x16xf32>,
            %swap3A_159 = vector.shape_cast %swap3A_158 : vector<1x16xf32> to vector<16xf32>
            %swap3A_160 = vector.shape_cast %bitcast_convert_type3A_155 : vector<16xf32> to vector<1x16xf32>
            tpu.vector_store %arg15[%swap3A_156, %swap3A_157], %swap3A_160 {strides = array<i32>} : memref<128x144xf32, #tpu.memory_space<vmem>>, vector<1x16xf32>,
            %get3A_161 = arith.index_cast %add3A_143 : i32 to index
            %get3A_162 = arith.constant 16 : index
            %get3A_163 = tpu.vector_load %arg13[%get3A_161, %get3A_162] {strides = array<i32>} : memref<128x64xi32, #tpu.memory_space<vmem>>, vector<1x16xi32>,
            %get3A_164 = vector.shape_cast %get3A_163 : vector<1x16xi32> to vector<16xi32>
            %shift_left3A_165 = arith.constant 16 : i32
            %shift_left3A_166 = vector.broadcast %shift_left3A_165 : i32 to vector<16xi32>
            %shift_left3A_167 = arith.shli %get3A_164, %shift_left3A_166 : vector<16xi32>
            %bitcast_convert_type3A_168 = tpu.bitcast %shift_left3A_167 : vector<16xi32> -> vector<16xf32>
            %swap3A_169 = arith.index_cast %add3A_143 : i32 to index
            %swap3A_170 = arith.constant 16 : index
            %swap3A_171 = tpu.vector_load %arg15[%swap3A_169, %swap3A_170] {strides = array<i32>} : memref<128x144xf32, #tpu.memory_space<vmem>>, vector<1x16xf32>,
            %swap3A_172 = vector.shape_cast %swap3A_171 : vector<1x16xf32> to vector<16xf32>
            %swap3A_173 = vector.shape_cast %bitcast_convert_type3A_168 : vector<16xf32> to vector<1x16xf32>
            tpu.vector_store %arg15[%swap3A_169, %swap3A_170], %swap3A_173 {strides = array<i32>} : memref<128x144xf32, #tpu.memory_space<vmem>>, vector<1x16xf32>,
            %and3A_174 = arith.constant -65536 : i32
            %and3A_175 = vector.broadcast %and3A_174 : i32 to vector<16xi32>
            %and3A_176 = arith.andi %get3A_164, %and3A_175 : vector<16xi32>
            %bitcast_convert_type3A_177 = tpu.bitcast %and3A_176 : vector<16xi32> -> vector<16xf32>
            %swap3A_178 = arith.index_cast %add3A_143 : i32 to index
            %swap3A_179 = arith.constant 80 : index
            %swap3A_180 = tpu.vector_load %arg15[%swap3A_178, %swap3A_179] {strides = array<i32>} : memref<128x144xf32, #tpu.memory_space<vmem>>, vector<1x16xf32>,
            %swap3A_181 = vector.shape_cast %swap3A_180 : vector<1x16xf32> to vector<16xf32>
            %swap3A_182 = vector.shape_cast %bitcast_convert_type3A_177 : vector<16xf32> to vector<1x16xf32>
            tpu.vector_store %arg15[%swap3A_178, %swap3A_179], %swap3A_182 {strides = array<i32>} : memref<128x144xf32, #tpu.memory_space<vmem>>, vector<1x16xf32>,
            %get3A_183 = arith.index_cast %add3A_143 : i32 to index
            %get3A_184 = arith.constant 32 : index
            %get3A_185 = tpu.vector_load %arg13[%get3A_183, %get3A_184] {strides = array<i32>} : memref<128x64xi32, #tpu.memory_space<vmem>>, vector<1x16xi32>,
            %get3A_186 = vector.shape_cast %get3A_185 : vector<1x16xi32> to vector<16xi32>
            %shift_left3A_187 = arith.constant 16 : i32
            %shift_left3A_188 = vector.broadcast %shift_left3A_187 : i32 to vector<16xi32>
            %shift_left3A_189 = arith.shli %get3A_186, %shift_left3A_188 : vector<16xi32>
            %bitcast_convert_type3A_190 = tpu.bitcast %shift_left3A_189 : vector<16xi32> -> vector<16xf32>
            %swap3A_191 = arith.index_cast %add3A_143 : i32 to index
            %swap3A_192 = arith.constant 32 : index
            %swap3A_193 = tpu.vector_load %arg15[%swap3A_191, %swap3A_192] {strides = array<i32>} : memref<128x144xf32, #tpu.memory_space<vmem>>, vector<1x16xf32>,
            %swap3A_194 = vector.shape_cast %swap3A_193 : vector<1x16xf32> to vector<16xf32>
            %swap3A_195 = vector.shape_cast %bitcast_convert_type3A_190 : vector<16xf32> to vector<1x16xf32>
            tpu.vector_store %arg15[%swap3A_191, %swap3A_192], %swap3A_195 {strides = array<i32>} : memref<128x144xf32, #tpu.memory_space<vmem>>, vector<1x16xf32>,
            %and3A_196 = arith.constant -65536 : i32
            %and3A_197 = vector.broadcast %and3A_196 : i32 to vector<16xi32>
            %and3A_198 = arith.andi %get3A_186, %and3A_197 : vector<16xi32>
            %bitcast_convert_type3A_199 = tpu.bitcast %and3A_198 : vector<16xi32> -> vector<16xf32>
            %swap3A_200 = arith.index_cast %add3A_143 : i32 to index
            %swap3A_201 = arith.constant 96 : index
            %swap3A_202 = tpu.vector_load %arg15[%swap3A_200, %swap3A_201] {strides = array<i32>} : memref<128x144xf32, #tpu.memory_space<vmem>>, vector<1x16xf32>,
            %swap3A_203 = vector.shape_cast %swap3A_202 : vector<1x16xf32> to vector<16xf32>
            %swap3A_204 = vector.shape_cast %bitcast_convert_type3A_199 : vector<16xf32> to vector<1x16xf32>
            tpu.vector_store %arg15[%swap3A_200, %swap3A_201], %swap3A_204 {strides = array<i32>} : memref<128x144xf32, #tpu.memory_space<vmem>>, vector<1x16xf32>,
            %get3A_205 = arith.index_cast %add3A_143 : i32 to index
            %get3A_206 = arith.constant 48 : index
            %get3A_207 = tpu.vector_load %arg13[%get3A_205, %get3A_206] {strides = array<i32>} : memref<128x64xi32, #tpu.memory_space<vmem>>, vector<1x16xi32>,
            %get3A_208 = vector.shape_cast %get3A_207 : vector<1x16xi32> to vector<16xi32>
            %shift_left3A_209 = arith.constant 16 : i32
            %shift_left3A_210 = vector.broadcast %shift_left3A_209 : i32 to vector<16xi32>
            %shift_left3A_211 = arith.shli %get3A_208, %shift_left3A_210 : vector<16xi32>
            %bitcast_convert_type3A_212 = tpu.bitcast %shift_left3A_211 : vector<16xi32> -> vector<16xf32>
            %swap3A_213 = arith.index_cast %add3A_143 : i32 to index
            %swap3A_214 = arith.constant 48 : index
            %swap3A_215 = tpu.vector_load %arg15[%swap3A_213, %swap3A_214] {strides = array<i32>} : memref<128x144xf32, #tpu.memory_space<vmem>>, vector<1x16xf32>,
            %swap3A_216 = vector.shape_cast %swap3A_215 : vector<1x16xf32> to vector<16xf32>
            %swap3A_217 = vector.shape_cast %bitcast_convert_type3A_212 : vector<16xf32> to vector<1x16xf32>
            tpu.vector_store %arg15[%swap3A_213, %swap3A_214], %swap3A_217 {strides = array<i32>} : memref<128x144xf32, #tpu.memory_space<vmem>>, vector<1x16xf32>,
            %and3A_218 = arith.constant -65536 : i32
            %and3A_219 = vector.broadcast %and3A_218 : i32 to vector<16xi32>
            %and3A_220 = arith.andi %get3A_208, %and3A_219 : vector<16xi32>
            %bitcast_convert_type3A_221 = tpu.bitcast %and3A_220 : vector<16xi32> -> vector<16xf32>
            %swap3A_222 = arith.index_cast %add3A_143 : i32 to index
            %swap3A_223 = arith.constant 112 : index
            %swap3A_224 = tpu.vector_load %arg15[%swap3A_222, %swap3A_223] {strides = array<i32>} : memref<128x144xf32, #tpu.memory_space<vmem>>, vector<1x16xf32>,
            %swap3A_225 = vector.shape_cast %swap3A_224 : vector<1x16xf32> to vector<16xf32>
            %swap3A_226 = vector.shape_cast %bitcast_convert_type3A_221 : vector<16xf32> to vector<1x16xf32>
            tpu.vector_store %arg15[%swap3A_222, %swap3A_223], %swap3A_226 {strides = array<i32>} : memref<128x144xf32, #tpu.memory_space<vmem>>, vector<1x16xf32>,
          }
          %scan3A_100 = arith.constant 128 : i32
          %dma_start3A_101 = arith.constant 0 : i32
          %dma_start3A_102 = tpu.memref_slice %arg12[%mul3A_77, %dma_start3A_101] : memref<16x128xi32, #tpu.memory_space<vmem>> -> memref<1x128xi32, #tpu.memory_space<vmem>>
          %dma_start3A_103 = tpu.memref_squeeze %dma_start3A_102 : memref<1x128xi32, #tpu.memory_space<vmem>> -> memref<128xi32, #tpu.memory_space<vmem>>
          %dma_start3A_104 = arith.constant 0 : i32
          %dma_start3A_105 = arith.constant 0 : i32
          %dma_start3A_106 = tpu.memref_slice %arg10[%dma_start3A_104, %dma_start3A_105] : memref<10112x144xf32, #tpu.memory_space<vmem_shared>> -> memref<10112x144xf32, #tpu.memory_space<vmem_shared>>
          tpu.enqueue_indirect_dma source(%arg15 : memref<128x144xf32, #tpu.memory_space<vmem>>) target(%dma_start3A_106 : memref<10112x144xf32, #tpu.memory_space<vmem_shared>>) offsets(%dma_start3A_103 : memref<128xi32, #tpu.memory_space<vmem>>) semaphore(%arg18 : memref<!tpu.dma_semaphore, #tpu.memory_space<semaphore_mem>>) {add = true}
          %add3A_107 = arith.constant 1 : i32
          %add3A_108 = arith.addi %mul3A_77, %add3A_107 : i32
          %dma_wait3A_109 = arith.constant 0 : i32
          %dma_wait3A_110 = tpu.memref_slice %arg11[%add3A_108, %dma_wait3A_109] : memref<16x128xi32, #tpu.memory_space<vmem>> -> memref<1x128xi32, #tpu.memory_space<vmem>>
          %dma_wait3A_111 = tpu.memref_squeeze %dma_wait3A_110 : memref<1x128xi32, #tpu.memory_space<vmem>> -> memref<128xi32, #tpu.memory_space<vmem>>
          %dma_wait3A_112 = arith.constant 0 : i32
          %dma_wait3A_113 = arith.constant 0 : i32
          %dma_wait3A_114 = tpu.memref_slice %arg2[%dma_wait3A_112, %dma_wait3A_113] : memref<10000x64xi32, #tpu.memory_space<hbm>> -> memref<10000x64xi32, #tpu.memory_space<hbm>>
          tpu.wait_indirect_dma semaphore(%arg17 : memref<!tpu.dma_semaphore, #tpu.memory_space<semaphore_mem>>) src(%dma_wait3A_114 : memref<10000x64xi32, #tpu.memory_space<hbm>>) dst(%arg14 : memref<128x64xi32, #tpu.memory_space<vmem>>)
          %lt3A = arith.constant 7 : i32
          %lt3A_115 = arith.cmpi slt, %add3A_75, %lt3A : i32
          %convert_element_type3A_116 = arith.extui %lt3A_115 : i1 to i32
          %cond3A_117 = arith.constant 0 : i32
          %cond3A_118 = arith.cmpi ne, %convert_element_type3A_116, %cond3A_117 : i32
          scf.if %cond3A_118 {
            %add3A_139 = arith.constant 2 : i32
            %add3A_140 = arith.addi %mul3A_77, %add3A_139 : i32
            %dma_start3A_141 = arith.constant 0 : i32
            %dma_start3A_142 = tpu.memref_slice %arg11[%add3A_140, %dma_start3A_141] : memref<16x128xi32, #tpu.memory_space<vmem>> -> memref<1x128xi32, #tpu.memory_space<vmem>>
            %dma_start3A_143 = tpu.memref_squeeze %dma_start3A_142 : memref<1x128xi32, #tpu.memory_space<vmem>> -> memref<128xi32, #tpu.memory_space<vmem>>
            %dma_start3A_144 = arith.constant 0 : i32
            %dma_start3A_145 = arith.constant 0 : i32
            %dma_start3A_146 = tpu.memref_slice %arg2[%dma_start3A_144, %dma_start3A_145] : memref<10000x64xi32, #tpu.memory_space<hbm>> -> memref<10000x64xi32, #tpu.memory_space<hbm>>
            tpu.enqueue_indirect_dma source(%dma_start3A_146 : memref<10000x64xi32, #tpu.memory_space<hbm>>) target(%arg13 : memref<128x64xi32, #tpu.memory_space<vmem>>) offsets(%dma_start3A_143 : memref<128xi32, #tpu.memory_space<vmem>>) semaphore(%arg16 : memref<!tpu.dma_semaphore, #tpu.memory_space<semaphore_mem>>)
          } else {
          }
          %dma_wait3A_119 = arith.constant 0 : i32
          %dma_wait3A_120 = arith.constant 0 : i32
          %dma_wait3A_121 = tpu.memref_slice %arg12[%dma_wait3A_119, %dma_wait3A_120] : memref<16x128xi32, #tpu.memory_space<vmem>> -> memref<1x128xi32, #tpu.memory_space<vmem>>
          %dma_wait3A_122 = tpu.memref_squeeze %dma_wait3A_121 : memref<1x128xi32, #tpu.memory_space<vmem>> -> memref<128xi32, #tpu.memory_space<vmem>>
          %dma_wait3A_123 = arith.constant 0 : i32
          %dma_wait3A_124 = arith.constant 0 : i32
          %dma_wait3A_125 = tpu.memref_slice %arg10[%dma_wait3A_123, %dma_wait3A_124] : memref<10112x144xf32, #tpu.memory_space<vmem_shared>> -> memref<10112x144xf32, #tpu.memory_space<vmem_shared>>
          tpu.wait_indirect_dma semaphore(%arg18 : memref<!tpu.dma_semaphore, #tpu.memory_space<semaphore_mem>>) src(%arg15 : memref<128x144xf32, #tpu.memory_space<vmem>>) dst(%dma_wait3A_125 : memref<10112x144xf32, #tpu.memory_space<vmem_shared>>)
          %scan3A_126 = arith.constant 0 : i32
          %scan3A_127 = arith.constant 128 : i32
          %scan3A_128 = arith.addi %scan3A_126, %scan3A_127 : i32
          %scan3A_129 = arith.constant 1 : i32
          scf.for %scan3A_139 = %scan3A_126 to %scan3A_128 step %scan3A_129  : i32 {
            %mul3A_140 = arith.constant 1 : i32
            %mul3A_141 = arith.muli %scan3A_139, %mul3A_140 : i32
            %add3A_142 = arith.constant 0 : i32
            %add3A_143 = arith.addi %add3A_142, %mul3A_141 : i32
            %get3A = arith.index_cast %add3A_143 : i32 to index
            %get3A_144 = arith.constant 0 : index
            %get3A_145 = tpu.vector_load %arg14[%get3A, %get3A_144] {strides = array<i32>} : memref<128x64xi32, #tpu.memory_space<vmem>>, vector<1x16xi32>,
            %get3A_146 = vector.shape_cast %get3A_145 : vector<1x16xi32> to vector<16xi32>
            %shift_left3A = arith.constant 16 : i32
            %shift_left3A_147 = vector.broadcast %shift_left3A : i32 to vector<16xi32>
            %shift_left3A_148 = arith.shli %get3A_146, %shift_left3A_147 : vector<16xi32>
            %bitcast_convert_type3A = tpu.bitcast %shift_left3A_148 : vector<16xi32> -> vector<16xf32>
            %swap3A = arith.index_cast %add3A_143 : i32 to index
            %swap3A_149 = arith.constant 0 : index
            %swap3A_150 = tpu.vector_load %arg15[%swap3A, %swap3A_149] {strides = array<i32>} : memref<128x144xf32, #tpu.memory_space<vmem>>, vector<1x16xf32>,
            %swap3A_151 = vector.shape_cast %swap3A_150 : vector<1x16xf32> to vector<16xf32>
            %swap3A_152 = vector.shape_cast %bitcast_convert_type3A : vector<16xf32> to vector<1x16xf32>
            tpu.vector_store %arg15[%swap3A, %swap3A_149], %swap3A_152 {strides = array<i32>} : memref<128x144xf32, #tpu.memory_space<vmem>>, vector<1x16xf32>,
            %and3A = arith.constant -65536 : i32
            %and3A_153 = vector.broadcast %and3A : i32 to vector<16xi32>
            %and3A_154 = arith.andi %get3A_146, %and3A_153 : vector<16xi32>
            %bitcast_convert_type3A_155 = tpu.bitcast %and3A_154 : vector<16xi32> -> vector<16xf32>
            %swap3A_156 = arith.index_cast %add3A_143 : i32 to index
            %swap3A_157 = arith.constant 64 : index
            %swap3A_158 = tpu.vector_load %arg15[%swap3A_156, %swap3A_157] {strides = array<i32>} : memref<128x144xf32, #tpu.memory_space<vmem>>, vector<1x16xf32>,
            %swap3A_159 = vector.shape_cast %swap3A_158 : vector<1x16xf32> to vector<16xf32>
            %swap3A_160 = vector.shape_cast %bitcast_convert_type3A_155 : vector<16xf32> to vector<1x16xf32>
            tpu.vector_store %arg15[%swap3A_156, %swap3A_157], %swap3A_160 {strides = array<i32>} : memref<128x144xf32, #tpu.memory_space<vmem>>, vector<1x16xf32>,
            %get3A_161 = arith.index_cast %add3A_143 : i32 to index
            %get3A_162 = arith.constant 16 : index
            %get3A_163 = tpu.vector_load %arg14[%get3A_161, %get3A_162] {strides = array<i32>} : memref<128x64xi32, #tpu.memory_space<vmem>>, vector<1x16xi32>,
            %get3A_164 = vector.shape_cast %get3A_163 : vector<1x16xi32> to vector<16xi32>
            %shift_left3A_165 = arith.constant 16 : i32
            %shift_left3A_166 = vector.broadcast %shift_left3A_165 : i32 to vector<16xi32>
            %shift_left3A_167 = arith.shli %get3A_164, %shift_left3A_166 : vector<16xi32>
            %bitcast_convert_type3A_168 = tpu.bitcast %shift_left3A_167 : vector<16xi32> -> vector<16xf32>
            %swap3A_169 = arith.index_cast %add3A_143 : i32 to index
            %swap3A_170 = arith.constant 16 : index
            %swap3A_171 = tpu.vector_load %arg15[%swap3A_169, %swap3A_170] {strides = array<i32>} : memref<128x144xf32, #tpu.memory_space<vmem>>, vector<1x16xf32>,
            %swap3A_172 = vector.shape_cast %swap3A_171 : vector<1x16xf32> to vector<16xf32>
            %swap3A_173 = vector.shape_cast %bitcast_convert_type3A_168 : vector<16xf32> to vector<1x16xf32>
            tpu.vector_store %arg15[%swap3A_169, %swap3A_170], %swap3A_173 {strides = array<i32>} : memref<128x144xf32, #tpu.memory_space<vmem>>, vector<1x16xf32>,
            %and3A_174 = arith.constant -65536 : i32
            %and3A_175 = vector.broadcast %and3A_174 : i32 to vector<16xi32>
            %and3A_176 = arith.andi %get3A_164, %and3A_175 : vector<16xi32>
            %bitcast_convert_type3A_177 = tpu.bitcast %and3A_176 : vector<16xi32> -> vector<16xf32>
            %swap3A_178 = arith.index_cast %add3A_143 : i32 to index
            %swap3A_179 = arith.constant 80 : index
            %swap3A_180 = tpu.vector_load %arg15[%swap3A_178, %swap3A_179] {strides = array<i32>} : memref<128x144xf32, #tpu.memory_space<vmem>>, vector<1x16xf32>,
            %swap3A_181 = vector.shape_cast %swap3A_180 : vector<1x16xf32> to vector<16xf32>
            %swap3A_182 = vector.shape_cast %bitcast_convert_type3A_177 : vector<16xf32> to vector<1x16xf32>
            tpu.vector_store %arg15[%swap3A_178, %swap3A_179], %swap3A_182 {strides = array<i32>} : memref<128x144xf32, #tpu.memory_space<vmem>>, vector<1x16xf32>,
            %get3A_183 = arith.index_cast %add3A_143 : i32 to index
            %get3A_184 = arith.constant 32 : index
            %get3A_185 = tpu.vector_load %arg14[%get3A_183, %get3A_184] {strides = array<i32>} : memref<128x64xi32, #tpu.memory_space<vmem>>, vector<1x16xi32>,
            %get3A_186 = vector.shape_cast %get3A_185 : vector<1x16xi32> to vector<16xi32>
            %shift_left3A_187 = arith.constant 16 : i32
            %shift_left3A_188 = vector.broadcast %shift_left3A_187 : i32 to vector<16xi32>
            %shift_left3A_189 = arith.shli %get3A_186, %shift_left3A_188 : vector<16xi32>
            %bitcast_convert_type3A_190 = tpu.bitcast %shift_left3A_189 : vector<16xi32> -> vector<16xf32>
            %swap3A_191 = arith.index_cast %add3A_143 : i32 to index
            %swap3A_192 = arith.constant 32 : index
            %swap3A_193 = tpu.vector_load %arg15[%swap3A_191, %swap3A_192] {strides = array<i32>} : memref<128x144xf32, #tpu.memory_space<vmem>>, vector<1x16xf32>,
            %swap3A_194 = vector.shape_cast %swap3A_193 : vector<1x16xf32> to vector<16xf32>
            %swap3A_195 = vector.shape_cast %bitcast_convert_type3A_190 : vector<16xf32> to vector<1x16xf32>
            tpu.vector_store %arg15[%swap3A_191, %swap3A_192], %swap3A_195 {strides = array<i32>} : memref<128x144xf32, #tpu.memory_space<vmem>>, vector<1x16xf32>,
            %and3A_196 = arith.constant -65536 : i32
            %and3A_197 = vector.broadcast %and3A_196 : i32 to vector<16xi32>
            %and3A_198 = arith.andi %get3A_186, %and3A_197 : vector<16xi32>
            %bitcast_convert_type3A_199 = tpu.bitcast %and3A_198 : vector<16xi32> -> vector<16xf32>
            %swap3A_200 = arith.index_cast %add3A_143 : i32 to index
            %swap3A_201 = arith.constant 96 : index
            %swap3A_202 = tpu.vector_load %arg15[%swap3A_200, %swap3A_201] {strides = array<i32>} : memref<128x144xf32, #tpu.memory_space<vmem>>, vector<1x16xf32>,
            %swap3A_203 = vector.shape_cast %swap3A_202 : vector<1x16xf32> to vector<16xf32>
            %swap3A_204 = vector.shape_cast %bitcast_convert_type3A_199 : vector<16xf32> to vector<1x16xf32>
            tpu.vector_store %arg15[%swap3A_200, %swap3A_201], %swap3A_204 {strides = array<i32>} : memref<128x144xf32, #tpu.memory_space<vmem>>, vector<1x16xf32>,
            %get3A_205 = arith.index_cast %add3A_143 : i32 to index
            %get3A_206 = arith.constant 48 : index
            %get3A_207 = tpu.vector_load %arg14[%get3A_205, %get3A_206] {strides = array<i32>} : memref<128x64xi32, #tpu.memory_space<vmem>>, vector<1x16xi32>,
            %get3A_208 = vector.shape_cast %get3A_207 : vector<1x16xi32> to vector<16xi32>
            %shift_left3A_209 = arith.constant 16 : i32
            %shift_left3A_210 = vector.broadcast %shift_left3A_209 : i32 to vector<16xi32>
            %shift_left3A_211 = arith.shli %get3A_208, %shift_left3A_210 : vector<16xi32>
            %bitcast_convert_type3A_212 = tpu.bitcast %shift_left3A_211 : vector<16xi32> -> vector<16xf32>
            %swap3A_213 = arith.index_cast %add3A_143 : i32 to index
            %swap3A_214 = arith.constant 48 : index
            %swap3A_215 = tpu.vector_load %arg15[%swap3A_213, %swap3A_214] {strides = array<i32>} : memref<128x144xf32, #tpu.memory_space<vmem>>, vector<1x16xf32>,
            %swap3A_216 = vector.shape_cast %swap3A_215 : vector<1x16xf32> to vector<16xf32>
            %swap3A_217 = vector.shape_cast %bitcast_convert_type3A_212 : vector<16xf32> to vector<1x16xf32>
            tpu.vector_store %arg15[%swap3A_213, %swap3A_214], %swap3A_217 {strides = array<i32>} : memref<128x144xf32, #tpu.memory_space<vmem>>, vector<1x16xf32>,
            %and3A_218 = arith.constant -65536 : i32
            %and3A_219 = vector.broadcast %and3A_218 : i32 to vector<16xi32>
            %and3A_220 = arith.andi %get3A_208, %and3A_219 : vector<16xi32>
            %bitcast_convert_type3A_221 = tpu.bitcast %and3A_220 : vector<16xi32> -> vector<16xf32>
            %swap3A_222 = arith.index_cast %add3A_143 : i32 to index
            %swap3A_223 = arith.constant 112 : index
            %swap3A_224 = tpu.vector_load %arg15[%swap3A_222, %swap3A_223] {strides = array<i32>} : memref<128x144xf32, #tpu.memory_space<vmem>>, vector<1x16xf32>,
            %swap3A_225 = vector.shape_cast %swap3A_224 : vector<1x16xf32> to vector<16xf32>
            %swap3A_226 = vector.shape_cast %bitcast_convert_type3A_221 : vector<16xf32> to vector<1x16xf32>
            tpu.vector_store %arg15[%swap3A_222, %swap3A_223], %swap3A_226 {strides = array<i32>} : memref<128x144xf32, #tpu.memory_space<vmem>>, vector<1x16xf32>,
          }
          %scan3A_130 = arith.constant 128 : i32
          %add3A_131 = arith.constant 1 : i32
          %add3A_132 = arith.addi %mul3A_77, %add3A_131 : i32
          %dma_start3A_133 = arith.constant 0 : i32
          %dma_start3A_134 = tpu.memref_slice %arg12[%add3A_132, %dma_start3A_133] : memref<16x128xi32, #tpu.memory_space<vmem>> -> memref<1x128xi32, #tpu.memory_space<vmem>>
          %dma_start3A_135 = tpu.memref_squeeze %dma_start3A_134 : memref<1x128xi32, #tpu.memory_space<vmem>> -> memref<128xi32, #tpu.memory_space<vmem>>
          %dma_start3A_136 = arith.constant 0 : i32
          %dma_start3A_137 = arith.constant 0 : i32
          %dma_start3A_138 = tpu.memref_slice %arg10[%dma_start3A_136, %dma_start3A_137] : memref<10112x144xf32, #tpu.memory_space<vmem_shared>> -> memref<10112x144xf32, #tpu.memory_space<vmem_shared>>
          tpu.enqueue_indirect_dma source(%arg15 : memref<128x144xf32, #tpu.memory_space<vmem>>) target(%dma_start3A_138 : memref<10112x144xf32, #tpu.memory_space<vmem_shared>>) offsets(%dma_start3A_135 : memref<128xi32, #tpu.memory_space<vmem>>) semaphore(%arg18 : memref<!tpu.dma_semaphore, #tpu.memory_space<semaphore_mem>>) {add = true}
        }
        %scan3A_64 = arith.constant 8 : i32
        %dma_wait3A = arith.constant 0 : i32
        %dma_wait3A_65 = arith.constant 0 : i32
        %dma_wait3A_66 = tpu.memref_slice %arg12[%dma_wait3A, %dma_wait3A_65] : memref<16x128xi32, #tpu.memory_space<vmem>> -> memref<1x128xi32, #tpu.memory_space<vmem>>
        %dma_wait3A_67 = tpu.memref_squeeze %dma_wait3A_66 : memref<1x128xi32, #tpu.memory_space<vmem>> -> memref<128xi32, #tpu.memory_space<vmem>>
        %dma_wait3A_68 = arith.constant 0 : i32
        %dma_wait3A_69 = arith.constant 0 : i32
        %dma_wait3A_70 = tpu.memref_slice %arg10[%dma_wait3A_68, %dma_wait3A_69] : memref<10112x144xf32, #tpu.memory_space<vmem_shared>> -> memref<10112x144xf32, #tpu.memory_space<vmem_shared>>
        tpu.wait_indirect_dma semaphore(%arg18 : memref<!tpu.dma_semaphore, #tpu.memory_space<semaphore_mem>>) src(%arg15 : memref<128x144xf32, #tpu.memory_space<vmem>>) dst(%dma_wait3A_70 : memref<10112x144xf32, #tpu.memory_space<vmem_shared>>)
      }
      %scan3A_44 = arith.constant 10 : i32
    } else {
    }
    %eq3A_24 = arith.constant 1 : i32
    %eq3A_25 = arith.cmpi eq, %arg0, %eq3A_24 : i32
    %convert_element_type3A_26 = arith.extui %eq3A_25 : i1 to i32
    %cond3A_27 = arith.constant 0 : i32
    %cond3A_28 = arith.cmpi ne, %convert_element_type3A_26, %cond3A_27 : i32
    scf.if %cond3A_28 {
      %scan3A_40 = arith.constant 0 : i32
      %scan3A_41 = arith.constant 10 : i32
      %scan3A_42 = arith.addi %scan3A_40, %scan3A_41 : i32
      %scan3A_43 = arith.constant 1 : i32
      scf.for %scan3A_45 = %scan3A_40 to %scan3A_42 step %scan3A_43  : i32 {
        %mul3A_46 = arith.constant 1 : i32
        %mul3A_47 = arith.muli %scan3A_45, %mul3A_46 : i32
        %add3A_48 = arith.constant 0 : i32
        %add3A_49 = arith.addi %add3A_48, %mul3A_47 : i32
        %mul3A_50 = arith.constant 16 : i32
        %mul3A_51 = arith.muli %add3A_49, %mul3A_50 : i32
        "tpu.region"() ({
          %run_scoped3A = tpu.sem_alloc : memref<!tpu.dma_semaphore, #tpu.memory_space<semaphore_mem>>
          %dma_start3A_71 = arith.constant 0 : i32
          %dma_start3A_72 = tpu.memref_slice %arg6[%arg1, %mul3A_51, %dma_start3A_71] : memref<16x160x128xi32, #tpu.memory_space<hbm>> -> memref<1x16x128xi32, #tpu.memory_space<hbm>>
          %dma_start3A_73 = tpu.memref_squeeze %dma_start3A_72 : memref<1x16x128xi32, #tpu.memory_space<hbm>> -> memref<16x128xi32, #tpu.memory_space<hbm>>
          %dma_start3A_74 = arith.constant 0 : i32
          %dma_start3A_75 = tpu.memref_slice %arg6[%arg1, %mul3A_51, %dma_start3A_74] : memref<16x160x128xi32, #tpu.memory_space<hbm>> -> memref<1x16x128xi32, #tpu.memory_space<hbm>>
          %dma_start3A_76 = tpu.memref_squeeze %dma_start3A_75 : memref<1x16x128xi32, #tpu.memory_space<hbm>> -> memref<16x128xi32, #tpu.memory_space<hbm>>
          tpu.enqueue_dma source(%dma_start3A_76 : memref<16x128xi32, #tpu.memory_space<hbm>>) target(%arg11 : memref<16x128xi32, #tpu.memory_space<vmem>>) target_semaphore(%run_scoped3A : memref<!tpu.dma_semaphore, #tpu.memory_space<semaphore_mem>>)
          %dma_wait3A_77 = arith.constant 0 : i32
          %dma_wait3A_78 = tpu.memref_slice %arg6[%arg1, %mul3A_51, %dma_wait3A_77] : memref<16x160x128xi32, #tpu.memory_space<hbm>> -> memref<1x16x128xi32, #tpu.memory_space<hbm>>
          %dma_wait3A_79 = tpu.memref_squeeze %dma_wait3A_78 : memref<1x16x128xi32, #tpu.memory_space<hbm>> -> memref<16x128xi32, #tpu.memory_space<hbm>>
          %dma_wait3A_80 = arith.constant 0 : i32
          %dma_wait3A_81 = tpu.memref_slice %arg6[%arg1, %mul3A_51, %dma_wait3A_80] : memref<16x160x128xi32, #tpu.memory_space<hbm>> -> memref<1x16x128xi32, #tpu.memory_space<hbm>>
          %dma_wait3A_82 = tpu.memref_squeeze %dma_wait3A_81 : memref<1x16x128xi32, #tpu.memory_space<hbm>> -> memref<16x128xi32, #tpu.memory_space<hbm>>
          tpu.wait_dma2 semaphore(%run_scoped3A : memref<!tpu.dma_semaphore, #tpu.memory_space<semaphore_mem>>) src(%dma_wait3A_82 : memref<16x128xi32, #tpu.memory_space<hbm>>) dst(%arg11 : memref<16x128xi32, #tpu.memory_space<vmem>>)
          tpu.yield
        }) : () -> ()
        %mul3A_52 = arith.constant 16 : i32
        %mul3A_53 = arith.muli %add3A_49, %mul3A_52 : i32
        "tpu.region"() ({
          %run_scoped3A = tpu.sem_alloc : memref<!tpu.dma_semaphore, #tpu.memory_space<semaphore_mem>>
          %dma_start3A_71 = arith.constant 0 : i32
          %dma_start3A_72 = tpu.memref_slice %arg7[%arg1, %mul3A_53, %dma_start3A_71] : memref<16x160x128xi32, #tpu.memory_space<hbm>> -> memref<1x16x128xi32, #tpu.memory_space<hbm>>
          %dma_start3A_73 = tpu.memref_squeeze %dma_start3A_72 : memref<1x16x128xi32, #tpu.memory_space<hbm>> -> memref<16x128xi32, #tpu.memory_space<hbm>>
          %dma_start3A_74 = arith.constant 0 : i32
          %dma_start3A_75 = tpu.memref_slice %arg7[%arg1, %mul3A_53, %dma_start3A_74] : memref<16x160x128xi32, #tpu.memory_space<hbm>> -> memref<1x16x128xi32, #tpu.memory_space<hbm>>
          %dma_start3A_76 = tpu.memref_squeeze %dma_start3A_75 : memref<1x16x128xi32, #tpu.memory_space<hbm>> -> memref<16x128xi32, #tpu.memory_space<hbm>>
          tpu.enqueue_dma source(%dma_start3A_76 : memref<16x128xi32, #tpu.memory_space<hbm>>) target(%arg12 : memref<16x128xi32, #tpu.memory_space<vmem>>) target_semaphore(%run_scoped3A : memref<!tpu.dma_semaphore, #tpu.memory_space<semaphore_mem>>)
          %dma_wait3A_77 = arith.constant 0 : i32
          %dma_wait3A_78 = tpu.memref_slice %arg7[%arg1, %mul3A_53, %dma_wait3A_77] : memref<16x160x128xi32, #tpu.memory_space<hbm>> -> memref<1x16x128xi32, #tpu.memory_space<hbm>>
          %dma_wait3A_79 = tpu.memref_squeeze %dma_wait3A_78 : memref<1x16x128xi32, #tpu.memory_space<hbm>> -> memref<16x128xi32, #tpu.memory_space<hbm>>
          %dma_wait3A_80 = arith.constant 0 : i32
          %dma_wait3A_81 = tpu.memref_slice %arg7[%arg1, %mul3A_53, %dma_wait3A_80] : memref<16x160x128xi32, #tpu.memory_space<hbm>> -> memref<1x16x128xi32, #tpu.memory_space<hbm>>
          %dma_wait3A_82 = tpu.memref_squeeze %dma_wait3A_81 : memref<1x16x128xi32, #tpu.memory_space<hbm>> -> memref<16x128xi32, #tpu.memory_space<hbm>>
          tpu.wait_dma2 semaphore(%run_scoped3A : memref<!tpu.dma_semaphore, #tpu.memory_space<semaphore_mem>>) src(%dma_wait3A_82 : memref<16x128xi32, #tpu.memory_space<hbm>>) dst(%arg12 : memref<16x128xi32, #tpu.memory_space<vmem>>)
          tpu.yield
        }) : () -> ()
        %dma_start3A = arith.constant 0 : i32
        %dma_start3A_54 = arith.constant 0 : i32
        %dma_start3A_55 = tpu.memref_slice %arg11[%dma_start3A, %dma_start3A_54] : memref<16x128xi32, #tpu.memory_space<vmem>> -> memref<1x128xi32, #tpu.memory_space<vmem>>
        %dma_start3A_56 = tpu.memref_squeeze %dma_start3A_55 : memref<1x128xi32, #tpu.memory_space<vmem>> -> memref<128xi32, #tpu.memory_space<vmem>>
        %dma_start3A_57 = arith.constant 0 : i32
        %dma_start3A_58 = arith.constant 0 : i32
        %dma_start3A_59 = tpu.memref_slice %arg3[%dma_start3A_57, %dma_start3A_58] : memref<10000x64xi32, #tpu.memory_space<hbm>> -> memref<10000x64xi32, #tpu.memory_space<hbm>>
        tpu.enqueue_indirect_dma source(%dma_start3A_59 : memref<10000x64xi32, #tpu.memory_space<hbm>>) target(%arg13 : memref<128x64xi32, #tpu.memory_space<vmem>>) offsets(%dma_start3A_56 : memref<128xi32, #tpu.memory_space<vmem>>) semaphore(%arg16 : memref<!tpu.dma_semaphore, #tpu.memory_space<semaphore_mem>>)
        %scan3A_60 = arith.constant 0 : i32
        %scan3A_61 = arith.constant 8 : i32
        %scan3A_62 = arith.addi %scan3A_60, %scan3A_61 : i32
        %scan3A_63 = arith.constant 1 : i32
        scf.for %scan3A_71 = %scan3A_60 to %scan3A_62 step %scan3A_63  : i32 {
          %mul3A_72 = arith.constant 1 : i32
          %mul3A_73 = arith.muli %scan3A_71, %mul3A_72 : i32
          %add3A_74 = arith.constant 0 : i32
          %add3A_75 = arith.addi %add3A_74, %mul3A_73 : i32
          %mul3A_76 = arith.constant 2 : i32
          %mul3A_77 = arith.muli %mul3A_76, %add3A_75 : i32
          %dma_wait3A_78 = arith.constant 0 : i32
          %dma_wait3A_79 = tpu.memref_slice %arg11[%mul3A_77, %dma_wait3A_78] : memref<16x128xi32, #tpu.memory_space<vmem>> -> memref<1x128xi32, #tpu.memory_space<vmem>>
          %dma_wait3A_80 = tpu.memref_squeeze %dma_wait3A_79 : memref<1x128xi32, #tpu.memory_space<vmem>> -> memref<128xi32, #tpu.memory_space<vmem>>
          %dma_wait3A_81 = arith.constant 0 : i32
          %dma_wait3A_82 = arith.constant 0 : i32
          %dma_wait3A_83 = tpu.memref_slice %arg3[%dma_wait3A_81, %dma_wait3A_82] : memref<10000x64xi32, #tpu.memory_space<hbm>> -> memref<10000x64xi32, #tpu.memory_space<hbm>>
          tpu.wait_indirect_dma semaphore(%arg16 : memref<!tpu.dma_semaphore, #tpu.memory_space<semaphore_mem>>) src(%dma_wait3A_83 : memref<10000x64xi32, #tpu.memory_space<hbm>>) dst(%arg13 : memref<128x64xi32, #tpu.memory_space<vmem>>)
          %add3A_84 = arith.constant 1 : i32
          %add3A_85 = arith.addi %mul3A_77, %add3A_84 : i32
          %dma_start3A_86 = arith.constant 0 : i32
          %dma_start3A_87 = tpu.memref_slice %arg11[%add3A_85, %dma_start3A_86] : memref<16x128xi32, #tpu.memory_space<vmem>> -> memref<1x128xi32, #tpu.memory_space<vmem>>
          %dma_start3A_88 = tpu.memref_squeeze %dma_start3A_87 : memref<1x128xi32, #tpu.memory_space<vmem>> -> memref<128xi32, #tpu.memory_space<vmem>>
          %dma_start3A_89 = arith.constant 0 : i32
          %dma_start3A_90 = arith.constant 0 : i32
          %dma_start3A_91 = tpu.memref_slice %arg3[%dma_start3A_89, %dma_start3A_90] : memref<10000x64xi32, #tpu.memory_space<hbm>> -> memref<10000x64xi32, #tpu.memory_space<hbm>>
          tpu.enqueue_indirect_dma source(%dma_start3A_91 : memref<10000x64xi32, #tpu.memory_space<hbm>>) target(%arg14 : memref<128x64xi32, #tpu.memory_space<vmem>>) offsets(%dma_start3A_88 : memref<128xi32, #tpu.memory_space<vmem>>) semaphore(%arg17 : memref<!tpu.dma_semaphore, #tpu.memory_space<semaphore_mem>>)
          %gt3A = arith.constant 0 : i32
          %gt3A_92 = arith.cmpi sgt, %add3A_75, %gt3A : i32
          %convert_element_type3A_93 = arith.extui %gt3A_92 : i1 to i32
          %cond3A_94 = arith.constant 0 : i32
          %cond3A_95 = arith.cmpi ne, %convert_element_type3A_93, %cond3A_94 : i32
          scf.if %cond3A_95 {
            %dma_wait3A_139 = arith.constant 0 : i32
            %dma_wait3A_140 = arith.constant 0 : i32
            %dma_wait3A_141 = tpu.memref_slice %arg12[%dma_wait3A_139, %dma_wait3A_140] : memref<16x128xi32, #tpu.memory_space<vmem>> -> memref<1x128xi32, #tpu.memory_space<vmem>>
            %dma_wait3A_142 = tpu.memref_squeeze %dma_wait3A_141 : memref<1x128xi32, #tpu.memory_space<vmem>> -> memref<128xi32, #tpu.memory_space<vmem>>
            %dma_wait3A_143 = arith.constant 0 : i32
            %dma_wait3A_144 = arith.constant 0 : i32
            %dma_wait3A_145 = tpu.memref_slice %arg10[%dma_wait3A_143, %dma_wait3A_144] : memref<10112x144xf32, #tpu.memory_space<vmem_shared>> -> memref<10112x144xf32, #tpu.memory_space<vmem_shared>>
            tpu.wait_indirect_dma semaphore(%arg18 : memref<!tpu.dma_semaphore, #tpu.memory_space<semaphore_mem>>) src(%arg15 : memref<128x144xf32, #tpu.memory_space<vmem>>) dst(%dma_wait3A_145 : memref<10112x144xf32, #tpu.memory_space<vmem_shared>>)
          } else {
          }
          %scan3A_96 = arith.constant 0 : i32
          %scan3A_97 = arith.constant 128 : i32
          %scan3A_98 = arith.addi %scan3A_96, %scan3A_97 : i32
          %scan3A_99 = arith.constant 1 : i32
          scf.for %scan3A_139 = %scan3A_96 to %scan3A_98 step %scan3A_99  : i32 {
            %mul3A_140 = arith.constant 1 : i32
            %mul3A_141 = arith.muli %scan3A_139, %mul3A_140 : i32
            %add3A_142 = arith.constant 0 : i32
            %add3A_143 = arith.addi %add3A_142, %mul3A_141 : i32
            %get3A = arith.index_cast %add3A_143 : i32 to index
            %get3A_144 = arith.constant 0 : index
            %get3A_145 = tpu.vector_load %arg13[%get3A, %get3A_144] {strides = array<i32>} : memref<128x64xi32, #tpu.memory_space<vmem>>, vector<1x16xi32>,
            %get3A_146 = vector.shape_cast %get3A_145 : vector<1x16xi32> to vector<16xi32>
            %shift_left3A = arith.constant 16 : i32
            %shift_left3A_147 = vector.broadcast %shift_left3A : i32 to vector<16xi32>
            %shift_left3A_148 = arith.shli %get3A_146, %shift_left3A_147 : vector<16xi32>
            %bitcast_convert_type3A = tpu.bitcast %shift_left3A_148 : vector<16xi32> -> vector<16xf32>
            %swap3A = arith.index_cast %add3A_143 : i32 to index
            %swap3A_149 = arith.constant 0 : index
            %swap3A_150 = tpu.vector_load %arg15[%swap3A, %swap3A_149] {strides = array<i32>} : memref<128x144xf32, #tpu.memory_space<vmem>>, vector<1x16xf32>,
            %swap3A_151 = vector.shape_cast %swap3A_150 : vector<1x16xf32> to vector<16xf32>
            %swap3A_152 = vector.shape_cast %bitcast_convert_type3A : vector<16xf32> to vector<1x16xf32>
            tpu.vector_store %arg15[%swap3A, %swap3A_149], %swap3A_152 {strides = array<i32>} : memref<128x144xf32, #tpu.memory_space<vmem>>, vector<1x16xf32>,
            %and3A = arith.constant -65536 : i32
            %and3A_153 = vector.broadcast %and3A : i32 to vector<16xi32>
            %and3A_154 = arith.andi %get3A_146, %and3A_153 : vector<16xi32>
            %bitcast_convert_type3A_155 = tpu.bitcast %and3A_154 : vector<16xi32> -> vector<16xf32>
            %swap3A_156 = arith.index_cast %add3A_143 : i32 to index
            %swap3A_157 = arith.constant 64 : index
            %swap3A_158 = tpu.vector_load %arg15[%swap3A_156, %swap3A_157] {strides = array<i32>} : memref<128x144xf32, #tpu.memory_space<vmem>>, vector<1x16xf32>,
            %swap3A_159 = vector.shape_cast %swap3A_158 : vector<1x16xf32> to vector<16xf32>
            %swap3A_160 = vector.shape_cast %bitcast_convert_type3A_155 : vector<16xf32> to vector<1x16xf32>
            tpu.vector_store %arg15[%swap3A_156, %swap3A_157], %swap3A_160 {strides = array<i32>} : memref<128x144xf32, #tpu.memory_space<vmem>>, vector<1x16xf32>,
            %get3A_161 = arith.index_cast %add3A_143 : i32 to index
            %get3A_162 = arith.constant 16 : index
            %get3A_163 = tpu.vector_load %arg13[%get3A_161, %get3A_162] {strides = array<i32>} : memref<128x64xi32, #tpu.memory_space<vmem>>, vector<1x16xi32>,
            %get3A_164 = vector.shape_cast %get3A_163 : vector<1x16xi32> to vector<16xi32>
            %shift_left3A_165 = arith.constant 16 : i32
            %shift_left3A_166 = vector.broadcast %shift_left3A_165 : i32 to vector<16xi32>
            %shift_left3A_167 = arith.shli %get3A_164, %shift_left3A_166 : vector<16xi32>
            %bitcast_convert_type3A_168 = tpu.bitcast %shift_left3A_167 : vector<16xi32> -> vector<16xf32>
            %swap3A_169 = arith.index_cast %add3A_143 : i32 to index
            %swap3A_170 = arith.constant 16 : index
            %swap3A_171 = tpu.vector_load %arg15[%swap3A_169, %swap3A_170] {strides = array<i32>} : memref<128x144xf32, #tpu.memory_space<vmem>>, vector<1x16xf32>,
            %swap3A_172 = vector.shape_cast %swap3A_171 : vector<1x16xf32> to vector<16xf32>
            %swap3A_173 = vector.shape_cast %bitcast_convert_type3A_168 : vector<16xf32> to vector<1x16xf32>
            tpu.vector_store %arg15[%swap3A_169, %swap3A_170], %swap3A_173 {strides = array<i32>} : memref<128x144xf32, #tpu.memory_space<vmem>>, vector<1x16xf32>,
            %and3A_174 = arith.constant -65536 : i32
            %and3A_175 = vector.broadcast %and3A_174 : i32 to vector<16xi32>
            %and3A_176 = arith.andi %get3A_164, %and3A_175 : vector<16xi32>
            %bitcast_convert_type3A_177 = tpu.bitcast %and3A_176 : vector<16xi32> -> vector<16xf32>
            %swap3A_178 = arith.index_cast %add3A_143 : i32 to index
            %swap3A_179 = arith.constant 80 : index
            %swap3A_180 = tpu.vector_load %arg15[%swap3A_178, %swap3A_179] {strides = array<i32>} : memref<128x144xf32, #tpu.memory_space<vmem>>, vector<1x16xf32>,
            %swap3A_181 = vector.shape_cast %swap3A_180 : vector<1x16xf32> to vector<16xf32>
            %swap3A_182 = vector.shape_cast %bitcast_convert_type3A_177 : vector<16xf32> to vector<1x16xf32>
            tpu.vector_store %arg15[%swap3A_178, %swap3A_179], %swap3A_182 {strides = array<i32>} : memref<128x144xf32, #tpu.memory_space<vmem>>, vector<1x16xf32>,
            %get3A_183 = arith.index_cast %add3A_143 : i32 to index
            %get3A_184 = arith.constant 32 : index
            %get3A_185 = tpu.vector_load %arg13[%get3A_183, %get3A_184] {strides = array<i32>} : memref<128x64xi32, #tpu.memory_space<vmem>>, vector<1x16xi32>,
            %get3A_186 = vector.shape_cast %get3A_185 : vector<1x16xi32> to vector<16xi32>
            %shift_left3A_187 = arith.constant 16 : i32
            %shift_left3A_188 = vector.broadcast %shift_left3A_187 : i32 to vector<16xi32>
            %shift_left3A_189 = arith.shli %get3A_186, %shift_left3A_188 : vector<16xi32>
            %bitcast_convert_type3A_190 = tpu.bitcast %shift_left3A_189 : vector<16xi32> -> vector<16xf32>
            %swap3A_191 = arith.index_cast %add3A_143 : i32 to index
            %swap3A_192 = arith.constant 32 : index
            %swap3A_193 = tpu.vector_load %arg15[%swap3A_191, %swap3A_192] {strides = array<i32>} : memref<128x144xf32, #tpu.memory_space<vmem>>, vector<1x16xf32>,
            %swap3A_194 = vector.shape_cast %swap3A_193 : vector<1x16xf32> to vector<16xf32>
            %swap3A_195 = vector.shape_cast %bitcast_convert_type3A_190 : vector<16xf32> to vector<1x16xf32>
            tpu.vector_store %arg15[%swap3A_191, %swap3A_192], %swap3A_195 {strides = array<i32>} : memref<128x144xf32, #tpu.memory_space<vmem>>, vector<1x16xf32>,
            %and3A_196 = arith.constant -65536 : i32
            %and3A_197 = vector.broadcast %and3A_196 : i32 to vector<16xi32>
            %and3A_198 = arith.andi %get3A_186, %and3A_197 : vector<16xi32>
            %bitcast_convert_type3A_199 = tpu.bitcast %and3A_198 : vector<16xi32> -> vector<16xf32>
            %swap3A_200 = arith.index_cast %add3A_143 : i32 to index
            %swap3A_201 = arith.constant 96 : index
            %swap3A_202 = tpu.vector_load %arg15[%swap3A_200, %swap3A_201] {strides = array<i32>} : memref<128x144xf32, #tpu.memory_space<vmem>>, vector<1x16xf32>,
            %swap3A_203 = vector.shape_cast %swap3A_202 : vector<1x16xf32> to vector<16xf32>
            %swap3A_204 = vector.shape_cast %bitcast_convert_type3A_199 : vector<16xf32> to vector<1x16xf32>
            tpu.vector_store %arg15[%swap3A_200, %swap3A_201], %swap3A_204 {strides = array<i32>} : memref<128x144xf32, #tpu.memory_space<vmem>>, vector<1x16xf32>,
            %get3A_205 = arith.index_cast %add3A_143 : i32 to index
            %get3A_206 = arith.constant 48 : index
            %get3A_207 = tpu.vector_load %arg13[%get3A_205, %get3A_206] {strides = array<i32>} : memref<128x64xi32, #tpu.memory_space<vmem>>, vector<1x16xi32>,
            %get3A_208 = vector.shape_cast %get3A_207 : vector<1x16xi32> to vector<16xi32>
            %shift_left3A_209 = arith.constant 16 : i32
            %shift_left3A_210 = vector.broadcast %shift_left3A_209 : i32 to vector<16xi32>
            %shift_left3A_211 = arith.shli %get3A_208, %shift_left3A_210 : vector<16xi32>
            %bitcast_convert_type3A_212 = tpu.bitcast %shift_left3A_211 : vector<16xi32> -> vector<16xf32>
            %swap3A_213 = arith.index_cast %add3A_143 : i32 to index
            %swap3A_214 = arith.constant 48 : index
            %swap3A_215 = tpu.vector_load %arg15[%swap3A_213, %swap3A_214] {strides = array<i32>} : memref<128x144xf32, #tpu.memory_space<vmem>>, vector<1x16xf32>,
            %swap3A_216 = vector.shape_cast %swap3A_215 : vector<1x16xf32> to vector<16xf32>
            %swap3A_217 = vector.shape_cast %bitcast_convert_type3A_212 : vector<16xf32> to vector<1x16xf32>
            tpu.vector_store %arg15[%swap3A_213, %swap3A_214], %swap3A_217 {strides = array<i32>} : memref<128x144xf32, #tpu.memory_space<vmem>>, vector<1x16xf32>,
            %and3A_218 = arith.constant -65536 : i32
            %and3A_219 = vector.broadcast %and3A_218 : i32 to vector<16xi32>
            %and3A_220 = arith.andi %get3A_208, %and3A_219 : vector<16xi32>
            %bitcast_convert_type3A_221 = tpu.bitcast %and3A_220 : vector<16xi32> -> vector<16xf32>
            %swap3A_222 = arith.index_cast %add3A_143 : i32 to index
            %swap3A_223 = arith.constant 112 : index
            %swap3A_224 = tpu.vector_load %arg15[%swap3A_222, %swap3A_223] {strides = array<i32>} : memref<128x144xf32, #tpu.memory_space<vmem>>, vector<1x16xf32>,
            %swap3A_225 = vector.shape_cast %swap3A_224 : vector<1x16xf32> to vector<16xf32>
            %swap3A_226 = vector.shape_cast %bitcast_convert_type3A_221 : vector<16xf32> to vector<1x16xf32>
            tpu.vector_store %arg15[%swap3A_222, %swap3A_223], %swap3A_226 {strides = array<i32>} : memref<128x144xf32, #tpu.memory_space<vmem>>, vector<1x16xf32>,
          }
          %scan3A_100 = arith.constant 128 : i32
          %dma_start3A_101 = arith.constant 0 : i32
          %dma_start3A_102 = tpu.memref_slice %arg12[%mul3A_77, %dma_start3A_101] : memref<16x128xi32, #tpu.memory_space<vmem>> -> memref<1x128xi32, #tpu.memory_space<vmem>>
          %dma_start3A_103 = tpu.memref_squeeze %dma_start3A_102 : memref<1x128xi32, #tpu.memory_space<vmem>> -> memref<128xi32, #tpu.memory_space<vmem>>
          %dma_start3A_104 = arith.constant 0 : i32
          %dma_start3A_105 = arith.constant 0 : i32
          %dma_start3A_106 = tpu.memref_slice %arg10[%dma_start3A_104, %dma_start3A_105] : memref<10112x144xf32, #tpu.memory_space<vmem_shared>> -> memref<10112x144xf32, #tpu.memory_space<vmem_shared>>
          tpu.enqueue_indirect_dma source(%arg15 : memref<128x144xf32, #tpu.memory_space<vmem>>) target(%dma_start3A_106 : memref<10112x144xf32, #tpu.memory_space<vmem_shared>>) offsets(%dma_start3A_103 : memref<128xi32, #tpu.memory_space<vmem>>) semaphore(%arg18 : memref<!tpu.dma_semaphore, #tpu.memory_space<semaphore_mem>>) {add = true}
          %add3A_107 = arith.constant 1 : i32
          %add3A_108 = arith.addi %mul3A_77, %add3A_107 : i32
          %dma_wait3A_109 = arith.constant 0 : i32
          %dma_wait3A_110 = tpu.memref_slice %arg11[%add3A_108, %dma_wait3A_109] : memref<16x128xi32, #tpu.memory_space<vmem>> -> memref<1x128xi32, #tpu.memory_space<vmem>>
          %dma_wait3A_111 = tpu.memref_squeeze %dma_wait3A_110 : memref<1x128xi32, #tpu.memory_space<vmem>> -> memref<128xi32, #tpu.memory_space<vmem>>
          %dma_wait3A_112 = arith.constant 0 : i32
          %dma_wait3A_113 = arith.constant 0 : i32
          %dma_wait3A_114 = tpu.memref_slice %arg3[%dma_wait3A_112, %dma_wait3A_113] : memref<10000x64xi32, #tpu.memory_space<hbm>> -> memref<10000x64xi32, #tpu.memory_space<hbm>>
          tpu.wait_indirect_dma semaphore(%arg17 : memref<!tpu.dma_semaphore, #tpu.memory_space<semaphore_mem>>) src(%dma_wait3A_114 : memref<10000x64xi32, #tpu.memory_space<hbm>>) dst(%arg14 : memref<128x64xi32, #tpu.memory_space<vmem>>)
          %lt3A = arith.constant 7 : i32
          %lt3A_115 = arith.cmpi slt, %add3A_75, %lt3A : i32
          %convert_element_type3A_116 = arith.extui %lt3A_115 : i1 to i32
          %cond3A_117 = arith.constant 0 : i32
          %cond3A_118 = arith.cmpi ne, %convert_element_type3A_116, %cond3A_117 : i32
          scf.if %cond3A_118 {
            %add3A_139 = arith.constant 2 : i32
            %add3A_140 = arith.addi %mul3A_77, %add3A_139 : i32
            %dma_start3A_141 = arith.constant 0 : i32
            %dma_start3A_142 = tpu.memref_slice %arg11[%add3A_140, %dma_start3A_141] : memref<16x128xi32, #tpu.memory_space<vmem>> -> memref<1x128xi32, #tpu.memory_space<vmem>>
            %dma_start3A_143 = tpu.memref_squeeze %dma_start3A_142 : memref<1x128xi32, #tpu.memory_space<vmem>> -> memref<128xi32, #tpu.memory_space<vmem>>
            %dma_start3A_144 = arith.constant 0 : i32
            %dma_start3A_145 = arith.constant 0 : i32
            %dma_start3A_146 = tpu.memref_slice %arg3[%dma_start3A_144, %dma_start3A_145] : memref<10000x64xi32, #tpu.memory_space<hbm>> -> memref<10000x64xi32, #tpu.memory_space<hbm>>
            tpu.enqueue_indirect_dma source(%dma_start3A_146 : memref<10000x64xi32, #tpu.memory_space<hbm>>) target(%arg13 : memref<128x64xi32, #tpu.memory_space<vmem>>) offsets(%dma_start3A_143 : memref<128xi32, #tpu.memory_space<vmem>>) semaphore(%arg16 : memref<!tpu.dma_semaphore, #tpu.memory_space<semaphore_mem>>)
          } else {
          }
          %dma_wait3A_119 = arith.constant 0 : i32
          %dma_wait3A_120 = arith.constant 0 : i32
          %dma_wait3A_121 = tpu.memref_slice %arg12[%dma_wait3A_119, %dma_wait3A_120] : memref<16x128xi32, #tpu.memory_space<vmem>> -> memref<1x128xi32, #tpu.memory_space<vmem>>
          %dma_wait3A_122 = tpu.memref_squeeze %dma_wait3A_121 : memref<1x128xi32, #tpu.memory_space<vmem>> -> memref<128xi32, #tpu.memory_space<vmem>>
          %dma_wait3A_123 = arith.constant 0 : i32
          %dma_wait3A_124 = arith.constant 0 : i32
          %dma_wait3A_125 = tpu.memref_slice %arg10[%dma_wait3A_123, %dma_wait3A_124] : memref<10112x144xf32, #tpu.memory_space<vmem_shared>> -> memref<10112x144xf32, #tpu.memory_space<vmem_shared>>
          tpu.wait_indirect_dma semaphore(%arg18 : memref<!tpu.dma_semaphore, #tpu.memory_space<semaphore_mem>>) src(%arg15 : memref<128x144xf32, #tpu.memory_space<vmem>>) dst(%dma_wait3A_125 : memref<10112x144xf32, #tpu.memory_space<vmem_shared>>)
          %scan3A_126 = arith.constant 0 : i32
          %scan3A_127 = arith.constant 128 : i32
          %scan3A_128 = arith.addi %scan3A_126, %scan3A_127 : i32
          %scan3A_129 = arith.constant 1 : i32
          scf.for %scan3A_139 = %scan3A_126 to %scan3A_128 step %scan3A_129  : i32 {
            %mul3A_140 = arith.constant 1 : i32
            %mul3A_141 = arith.muli %scan3A_139, %mul3A_140 : i32
            %add3A_142 = arith.constant 0 : i32
            %add3A_143 = arith.addi %add3A_142, %mul3A_141 : i32
            %get3A = arith.index_cast %add3A_143 : i32 to index
            %get3A_144 = arith.constant 0 : index
            %get3A_145 = tpu.vector_load %arg14[%get3A, %get3A_144] {strides = array<i32>} : memref<128x64xi32, #tpu.memory_space<vmem>>, vector<1x16xi32>,
            %get3A_146 = vector.shape_cast %get3A_145 : vector<1x16xi32> to vector<16xi32>
            %shift_left3A = arith.constant 16 : i32
            %shift_left3A_147 = vector.broadcast %shift_left3A : i32 to vector<16xi32>
            %shift_left3A_148 = arith.shli %get3A_146, %shift_left3A_147 : vector<16xi32>
            %bitcast_convert_type3A = tpu.bitcast %shift_left3A_148 : vector<16xi32> -> vector<16xf32>
            %swap3A = arith.index_cast %add3A_143 : i32 to index
            %swap3A_149 = arith.constant 0 : index
            %swap3A_150 = tpu.vector_load %arg15[%swap3A, %swap3A_149] {strides = array<i32>} : memref<128x144xf32, #tpu.memory_space<vmem>>, vector<1x16xf32>,
            %swap3A_151 = vector.shape_cast %swap3A_150 : vector<1x16xf32> to vector<16xf32>
            %swap3A_152 = vector.shape_cast %bitcast_convert_type3A : vector<16xf32> to vector<1x16xf32>
            tpu.vector_store %arg15[%swap3A, %swap3A_149], %swap3A_152 {strides = array<i32>} : memref<128x144xf32, #tpu.memory_space<vmem>>, vector<1x16xf32>,
            %and3A = arith.constant -65536 : i32
            %and3A_153 = vector.broadcast %and3A : i32 to vector<16xi32>
            %and3A_154 = arith.andi %get3A_146, %and3A_153 : vector<16xi32>
            %bitcast_convert_type3A_155 = tpu.bitcast %and3A_154 : vector<16xi32> -> vector<16xf32>
            %swap3A_156 = arith.index_cast %add3A_143 : i32 to index
            %swap3A_157 = arith.constant 64 : index
            %swap3A_158 = tpu.vector_load %arg15[%swap3A_156, %swap3A_157] {strides = array<i32>} : memref<128x144xf32, #tpu.memory_space<vmem>>, vector<1x16xf32>,
            %swap3A_159 = vector.shape_cast %swap3A_158 : vector<1x16xf32> to vector<16xf32>
            %swap3A_160 = vector.shape_cast %bitcast_convert_type3A_155 : vector<16xf32> to vector<1x16xf32>
            tpu.vector_store %arg15[%swap3A_156, %swap3A_157], %swap3A_160 {strides = array<i32>} : memref<128x144xf32, #tpu.memory_space<vmem>>, vector<1x16xf32>,
            %get3A_161 = arith.index_cast %add3A_143 : i32 to index
            %get3A_162 = arith.constant 16 : index
            %get3A_163 = tpu.vector_load %arg14[%get3A_161, %get3A_162] {strides = array<i32>} : memref<128x64xi32, #tpu.memory_space<vmem>>, vector<1x16xi32>,
            %get3A_164 = vector.shape_cast %get3A_163 : vector<1x16xi32> to vector<16xi32>
            %shift_left3A_165 = arith.constant 16 : i32
            %shift_left3A_166 = vector.broadcast %shift_left3A_165 : i32 to vector<16xi32>
            %shift_left3A_167 = arith.shli %get3A_164, %shift_left3A_166 : vector<16xi32>
            %bitcast_convert_type3A_168 = tpu.bitcast %shift_left3A_167 : vector<16xi32> -> vector<16xf32>
            %swap3A_169 = arith.index_cast %add3A_143 : i32 to index
            %swap3A_170 = arith.constant 16 : index
            %swap3A_171 = tpu.vector_load %arg15[%swap3A_169, %swap3A_170] {strides = array<i32>} : memref<128x144xf32, #tpu.memory_space<vmem>>, vector<1x16xf32>,
            %swap3A_172 = vector.shape_cast %swap3A_171 : vector<1x16xf32> to vector<16xf32>
            %swap3A_173 = vector.shape_cast %bitcast_convert_type3A_168 : vector<16xf32> to vector<1x16xf32>
            tpu.vector_store %arg15[%swap3A_169, %swap3A_170], %swap3A_173 {strides = array<i32>} : memref<128x144xf32, #tpu.memory_space<vmem>>, vector<1x16xf32>,
            %and3A_174 = arith.constant -65536 : i32
            %and3A_175 = vector.broadcast %and3A_174 : i32 to vector<16xi32>
            %and3A_176 = arith.andi %get3A_164, %and3A_175 : vector<16xi32>
            %bitcast_convert_type3A_177 = tpu.bitcast %and3A_176 : vector<16xi32> -> vector<16xf32>
            %swap3A_178 = arith.index_cast %add3A_143 : i32 to index
            %swap3A_179 = arith.constant 80 : index
            %swap3A_180 = tpu.vector_load %arg15[%swap3A_178, %swap3A_179] {strides = array<i32>} : memref<128x144xf32, #tpu.memory_space<vmem>>, vector<1x16xf32>,
            %swap3A_181 = vector.shape_cast %swap3A_180 : vector<1x16xf32> to vector<16xf32>
            %swap3A_182 = vector.shape_cast %bitcast_convert_type3A_177 : vector<16xf32> to vector<1x16xf32>
            tpu.vector_store %arg15[%swap3A_178, %swap3A_179], %swap3A_182 {strides = array<i32>} : memref<128x144xf32, #tpu.memory_space<vmem>>, vector<1x16xf32>,
            %get3A_183 = arith.index_cast %add3A_143 : i32 to index
            %get3A_184 = arith.constant 32 : index
            %get3A_185 = tpu.vector_load %arg14[%get3A_183, %get3A_184] {strides = array<i32>} : memref<128x64xi32, #tpu.memory_space<vmem>>, vector<1x16xi32>,
            %get3A_186 = vector.shape_cast %get3A_185 : vector<1x16xi32> to vector<16xi32>
            %shift_left3A_187 = arith.constant 16 : i32
            %shift_left3A_188 = vector.broadcast %shift_left3A_187 : i32 to vector<16xi32>
            %shift_left3A_189 = arith.shli %get3A_186, %shift_left3A_188 : vector<16xi32>
            %bitcast_convert_type3A_190 = tpu.bitcast %shift_left3A_189 : vector<16xi32> -> vector<16xf32>
            %swap3A_191 = arith.index_cast %add3A_143 : i32 to index
            %swap3A_192 = arith.constant 32 : index
            %swap3A_193 = tpu.vector_load %arg15[%swap3A_191, %swap3A_192] {strides = array<i32>} : memref<128x144xf32, #tpu.memory_space<vmem>>, vector<1x16xf32>,
            %swap3A_194 = vector.shape_cast %swap3A_193 : vector<1x16xf32> to vector<16xf32>
            %swap3A_195 = vector.shape_cast %bitcast_convert_type3A_190 : vector<16xf32> to vector<1x16xf32>
            tpu.vector_store %arg15[%swap3A_191, %swap3A_192], %swap3A_195 {strides = array<i32>} : memref<128x144xf32, #tpu.memory_space<vmem>>, vector<1x16xf32>,
            %and3A_196 = arith.constant -65536 : i32
            %and3A_197 = vector.broadcast %and3A_196 : i32 to vector<16xi32>
            %and3A_198 = arith.andi %get3A_186, %and3A_197 : vector<16xi32>
            %bitcast_convert_type3A_199 = tpu.bitcast %and3A_198 : vector<16xi32> -> vector<16xf32>
            %swap3A_200 = arith.index_cast %add3A_143 : i32 to index
            %swap3A_201 = arith.constant 96 : index
            %swap3A_202 = tpu.vector_load %arg15[%swap3A_200, %swap3A_201] {strides = array<i32>} : memref<128x144xf32, #tpu.memory_space<vmem>>, vector<1x16xf32>,
            %swap3A_203 = vector.shape_cast %swap3A_202 : vector<1x16xf32> to vector<16xf32>
            %swap3A_204 = vector.shape_cast %bitcast_convert_type3A_199 : vector<16xf32> to vector<1x16xf32>
            tpu.vector_store %arg15[%swap3A_200, %swap3A_201], %swap3A_204 {strides = array<i32>} : memref<128x144xf32, #tpu.memory_space<vmem>>, vector<1x16xf32>,
            %get3A_205 = arith.index_cast %add3A_143 : i32 to index
            %get3A_206 = arith.constant 48 : index
            %get3A_207 = tpu.vector_load %arg14[%get3A_205, %get3A_206] {strides = array<i32>} : memref<128x64xi32, #tpu.memory_space<vmem>>, vector<1x16xi32>,
            %get3A_208 = vector.shape_cast %get3A_207 : vector<1x16xi32> to vector<16xi32>
            %shift_left3A_209 = arith.constant 16 : i32
            %shift_left3A_210 = vector.broadcast %shift_left3A_209 : i32 to vector<16xi32>
            %shift_left3A_211 = arith.shli %get3A_208, %shift_left3A_210 : vector<16xi32>
            %bitcast_convert_type3A_212 = tpu.bitcast %shift_left3A_211 : vector<16xi32> -> vector<16xf32>
            %swap3A_213 = arith.index_cast %add3A_143 : i32 to index
            %swap3A_214 = arith.constant 48 : index
            %swap3A_215 = tpu.vector_load %arg15[%swap3A_213, %swap3A_214] {strides = array<i32>} : memref<128x144xf32, #tpu.memory_space<vmem>>, vector<1x16xf32>,
            %swap3A_216 = vector.shape_cast %swap3A_215 : vector<1x16xf32> to vector<16xf32>
            %swap3A_217 = vector.shape_cast %bitcast_convert_type3A_212 : vector<16xf32> to vector<1x16xf32>
            tpu.vector_store %arg15[%swap3A_213, %swap3A_214], %swap3A_217 {strides = array<i32>} : memref<128x144xf32, #tpu.memory_space<vmem>>, vector<1x16xf32>,
            %and3A_218 = arith.constant -65536 : i32
            %and3A_219 = vector.broadcast %and3A_218 : i32 to vector<16xi32>
            %and3A_220 = arith.andi %get3A_208, %and3A_219 : vector<16xi32>
            %bitcast_convert_type3A_221 = tpu.bitcast %and3A_220 : vector<16xi32> -> vector<16xf32>
            %swap3A_222 = arith.index_cast %add3A_143 : i32 to index
            %swap3A_223 = arith.constant 112 : index
            %swap3A_224 = tpu.vector_load %arg15[%swap3A_222, %swap3A_223] {strides = array<i32>} : memref<128x144xf32, #tpu.memory_space<vmem>>, vector<1x16xf32>,
            %swap3A_225 = vector.shape_cast %swap3A_224 : vector<1x16xf32> to vector<16xf32>
            %swap3A_226 = vector.shape_cast %bitcast_convert_type3A_221 : vector<16xf32> to vector<1x16xf32>
            tpu.vector_store %arg15[%swap3A_222, %swap3A_223], %swap3A_226 {strides = array<i32>} : memref<128x144xf32, #tpu.memory_space<vmem>>, vector<1x16xf32>,
          }
          %scan3A_130 = arith.constant 128 : i32
          %add3A_131 = arith.constant 1 : i32
          %add3A_132 = arith.addi %mul3A_77, %add3A_131 : i32
          %dma_start3A_133 = arith.constant 0 : i32
          %dma_start3A_134 = tpu.memref_slice %arg12[%add3A_132, %dma_start3A_133] : memref<16x128xi32, #tpu.memory_space<vmem>> -> memref<1x128xi32, #tpu.memory_space<vmem>>
          %dma_start3A_135 = tpu.memref_squeeze %dma_start3A_134 : memref<1x128xi32, #tpu.memory_space<vmem>> -> memref<128xi32, #tpu.memory_space<vmem>>
          %dma_start3A_136 = arith.constant 0 : i32
          %dma_start3A_137 = arith.constant 0 : i32
          %dma_start3A_138 = tpu.memref_slice %arg10[%dma_start3A_136, %dma_start3A_137] : memref<10112x144xf32, #tpu.memory_space<vmem_shared>> -> memref<10112x144xf32, #tpu.memory_space<vmem_shared>>
          tpu.enqueue_indirect_dma source(%arg15 : memref<128x144xf32, #tpu.memory_space<vmem>>) target(%dma_start3A_138 : memref<10112x144xf32, #tpu.memory_space<vmem_shared>>) offsets(%dma_start3A_135 : memref<128xi32, #tpu.memory_space<vmem>>) semaphore(%arg18 : memref<!tpu.dma_semaphore, #tpu.memory_space<semaphore_mem>>) {add = true}
        }
        %scan3A_64 = arith.constant 8 : i32
        %dma_wait3A = arith.constant 0 : i32
        %dma_wait3A_65 = arith.constant 0 : i32
        %dma_wait3A_66 = tpu.memref_slice %arg12[%dma_wait3A, %dma_wait3A_65] : memref<16x128xi32, #tpu.memory_space<vmem>> -> memref<1x128xi32, #tpu.memory_space<vmem>>
        %dma_wait3A_67 = tpu.memref_squeeze %dma_wait3A_66 : memref<1x128xi32, #tpu.memory_space<vmem>> -> memref<128xi32, #tpu.memory_space<vmem>>
        %dma_wait3A_68 = arith.constant 0 : i32
        %dma_wait3A_69 = arith.constant 0 : i32
        %dma_wait3A_70 = tpu.memref_slice %arg10[%dma_wait3A_68, %dma_wait3A_69] : memref<10112x144xf32, #tpu.memory_space<vmem_shared>> -> memref<10112x144xf32, #tpu.memory_space<vmem_shared>>
        tpu.wait_indirect_dma semaphore(%arg18 : memref<!tpu.dma_semaphore, #tpu.memory_space<semaphore_mem>>) src(%arg15 : memref<128x144xf32, #tpu.memory_space<vmem>>) dst(%dma_wait3A_70 : memref<10112x144xf32, #tpu.memory_space<vmem_shared>>)
      }
      %scan3A_44 = arith.constant 10 : i32
    } else {
    }
    %barrier3A_29 = arith.constant 0 : index
    tpu.barrier barrier_id(%barrier3A_29)
    %eq3A_30 = arith.constant 0 : i32
    %eq3A_31 = arith.cmpi eq, %arg0, %eq3A_30 : i32
    %convert_element_type3A_32 = arith.extui %eq3A_31 : i1 to i32
    %cond3A_33 = arith.constant 0 : i32
    %cond3A_34 = arith.cmpi ne, %convert_element_type3A_32, %cond3A_33 : i32
    scf.if %cond3A_34 {
      "tpu.region"() ({
        %run_scoped3A = tpu.sem_alloc : memref<!tpu.dma_semaphore, #tpu.memory_space<semaphore_mem>>
        %dma_start3A = arith.constant 0 : i32
        %dma_start3A_40 = tpu.memref_slice %arg8[%mul3A_0, %dma_start3A] : memref<10112x144xf32, #tpu.memory_space<hbm>> -> memref<632x144xf32, #tpu.memory_space<hbm>>
        %dma_start3A_41 = arith.constant 0 : i32
        %dma_start3A_42 = tpu.memref_slice %arg10[%mul3A_0, %dma_start3A_41] : memref<10112x144xf32, #tpu.memory_space<vmem_shared>> -> memref<632x144xf32, #tpu.memory_space<vmem_shared>>
        tpu.enqueue_dma source(%dma_start3A_42 : memref<632x144xf32, #tpu.memory_space<vmem_shared>>) target(%dma_start3A_40 : memref<632x144xf32, #tpu.memory_space<hbm>>) target_semaphore(%run_scoped3A : memref<!tpu.dma_semaphore, #tpu.memory_space<semaphore_mem>>)
        %dma_wait3A = arith.constant 0 : i32
        %dma_wait3A_43 = tpu.memref_slice %arg8[%mul3A_0, %dma_wait3A] : memref<10112x144xf32, #tpu.memory_space<hbm>> -> memref<632x144xf32, #tpu.memory_space<hbm>>
        %dma_wait3A_44 = arith.constant 0 : i32
        %dma_wait3A_45 = tpu.memref_slice %arg10[%mul3A_0, %dma_wait3A_44] : memref<10112x144xf32, #tpu.memory_space<vmem_shared>> -> memref<632x144xf32, #tpu.memory_space<vmem_shared>>
        tpu.wait_dma2 semaphore(%run_scoped3A : memref<!tpu.dma_semaphore, #tpu.memory_space<semaphore_mem>>) src(%dma_wait3A_45 : memref<632x144xf32, #tpu.memory_space<vmem_shared>>) dst(%dma_wait3A_43 : memref<632x144xf32, #tpu.memory_space<hbm>>)
        tpu.yield
      }) : () -> ()
    } else {
    }
    %eq3A_35 = arith.constant 1 : i32
    %eq3A_36 = arith.cmpi eq, %arg0, %eq3A_35 : i32
    %convert_element_type3A_37 = arith.extui %eq3A_36 : i1 to i32
    %cond3A_38 = arith.constant 0 : i32
    %cond3A_39 = arith.cmpi ne, %convert_element_type3A_37, %cond3A_38 : i32
    scf.if %cond3A_39 {
      "tpu.region"() ({
        %run_scoped3A = tpu.sem_alloc : memref<!tpu.dma_semaphore, #tpu.memory_space<semaphore_mem>>
        %dma_start3A = arith.constant 0 : i32
        %dma_start3A_40 = tpu.memref_slice %arg9[%mul3A_0, %dma_start3A] : memref<10112x144xf32, #tpu.memory_space<hbm>> -> memref<632x144xf32, #tpu.memory_space<hbm>>
        %dma_start3A_41 = arith.constant 0 : i32
        %dma_start3A_42 = tpu.memref_slice %arg10[%mul3A_0, %dma_start3A_41] : memref<10112x144xf32, #tpu.memory_space<vmem_shared>> -> memref<632x144xf32, #tpu.memory_space<vmem_shared>>
        tpu.enqueue_dma source(%dma_start3A_42 : memref<632x144xf32, #tpu.memory_space<vmem_shared>>) target(%dma_start3A_40 : memref<632x144xf32, #tpu.memory_space<hbm>>) target_semaphore(%run_scoped3A : memref<!tpu.dma_semaphore, #tpu.memory_space<semaphore_mem>>)
        %dma_wait3A = arith.constant 0 : i32
        %dma_wait3A_43 = tpu.memref_slice %arg9[%mul3A_0, %dma_wait3A] : memref<10112x144xf32, #tpu.memory_space<hbm>> -> memref<632x144xf32, #tpu.memory_space<hbm>>
        %dma_wait3A_44 = arith.constant 0 : i32
        %dma_wait3A_45 = tpu.memref_slice %arg10[%mul3A_0, %dma_wait3A_44] : memref<10112x144xf32, #tpu.memory_space<vmem_shared>> -> memref<632x144xf32, #tpu.memory_space<vmem_shared>>
        tpu.wait_dma2 semaphore(%run_scoped3A : memref<!tpu.dma_semaphore, #tpu.memory_space<semaphore_mem>>) src(%dma_wait3A_45 : memref<632x144xf32, #tpu.memory_space<vmem_shared>>) dst(%dma_wait3A_43 : memref<632x144xf32, #tpu.memory_space<hbm>>)
        tpu.yield
      }) : () -> ()
    } else {
    }
    return
  }
}

module attributes {stable_mosaic.version = 14 : i64} {
  func.func @_tc_body(%arg0: i32, %arg1: memref<1000x128xf32, #tpu.memory_space<vmem>>, %arg2: memref<1000x144xf32, #tpu.memory_space<vmem>>, %arg3: memref<1000x144xf32, #tpu.memory_space<vmem>>, %arg4: memref<128x128xf32, #tpu.memory_space<vmem>>, %arg5: memref<128x128xf32, #tpu.memory_space<vmem>>, %arg6: memref<128x128xf32, #tpu.memory_space<vmem>>, %arg7: memref<128x128xf32, #tpu.memory_space<vmem>>, %arg8: memref<1x128xf32, #tpu.memory_space<vmem>>, %arg9: memref<1x128xf32, #tpu.memory_space<vmem>>, %arg10: memref<1x128xf32, #tpu.memory_space<vmem>>, %arg11: memref<1x128xf32, #tpu.memory_space<vmem>>, %arg12: memref<1000x128xf32, #tpu.memory_space<vmem>>) attributes {dimension_semantics = [#tpu.dimension_semantics<arbitrary>], iteration_bounds = array<i64: 10>, scalar_prefetch = 0 : i64, scratch_operands = 0 : i64, tpu.core_type = #tpu.core_type<tc>, window_params = [{transform_indices = @transform_0, window_bounds = array<i64: 1000, 128>}, {transform_indices = @transform_1, window_bounds = array<i64: 1000, 144>}, {transform_indices = @transform_2, window_bounds = array<i64: 1000, 144>}, {pipeline_mode = #tpu.pipeline_mode<synchronous>, transform_indices = @transform_3, window_bounds = array<i64: 128, 128>}, {pipeline_mode = #tpu.pipeline_mode<synchronous>, transform_indices = @transform_4, window_bounds = array<i64: 128, 128>}, {pipeline_mode = #tpu.pipeline_mode<synchronous>, transform_indices = @transform_5, window_bounds = array<i64: 128, 128>}, {pipeline_mode = #tpu.pipeline_mode<synchronous>, transform_indices = @transform_6, window_bounds = array<i64: 128, 128>}, {pipeline_mode = #tpu.pipeline_mode<synchronous>, transform_indices = @transform_7, window_bounds = array<i64: 1, 128>}, {pipeline_mode = #tpu.pipeline_mode<synchronous>, transform_indices = @transform_8, window_bounds = array<i64: 1, 128>}, {pipeline_mode = #tpu.pipeline_mode<synchronous>, transform_indices = @transform_9, window_bounds = array<i64: 1, 128>}, {pipeline_mode = #tpu.pipeline_mode<synchronous>, transform_indices = @transform_10, window_bounds = array<i64: 1, 128>}, {transform_indices = @transform_11, window_bounds = array<i64: 1000, 128>}]} {
    %get3A = arith.constant 0 : index
    %get3A_0 = arith.constant 0 : index
    %get3A_1 = vector.load %arg2[%get3A, %get3A_0] : memref<1000x144xf32, #tpu.memory_space<vmem>>, vector<1000x128xf32>
    %get3A_2 = arith.constant 0 : index
    %get3A_3 = arith.constant 128 : index
    %get3A_4 = vector.load %arg2[%get3A_2, %get3A_3] : memref<1000x144xf32, #tpu.memory_space<vmem>>, vector<1000x1xf32>
    %max3A = arith.constant 1.000000e+00 : f32
    %max3A_5 = vector.broadcast %max3A : f32 to vector<1000x1xf32>
    %max3A_6 = arith.maximumf %get3A_4, %max3A_5 : vector<1000x1xf32>
    %div3A = vector.broadcast %max3A_6 : vector<1000x1xf32> to vector<1000x128xf32>
    %div3A_7 = arith.divf %get3A_1, %div3A : vector<1000x128xf32>
    %get3A_8 = arith.constant 0 : index
    %get3A_9 = arith.constant 0 : index
    %get3A_10 = vector.load %arg3[%get3A_8, %get3A_9] : memref<1000x144xf32, #tpu.memory_space<vmem>>, vector<1000x128xf32>
    %get3A_11 = arith.constant 0 : index
    %get3A_12 = arith.constant 128 : index
    %get3A_13 = vector.load %arg3[%get3A_11, %get3A_12] : memref<1000x144xf32, #tpu.memory_space<vmem>>, vector<1000x1xf32>
    %max3A_14 = arith.constant 1.000000e+00 : f32
    %max3A_15 = vector.broadcast %max3A_14 : f32 to vector<1000x1xf32>
    %max3A_16 = arith.maximumf %get3A_13, %max3A_15 : vector<1000x1xf32>
    %div3A_17 = vector.broadcast %max3A_16 : vector<1000x1xf32> to vector<1000x128xf32>
    %div3A_18 = arith.divf %get3A_10, %div3A_17 : vector<1000x128xf32>
    %get3A_19 = arith.constant 0 : index
    %get3A_20 = arith.constant 0 : index
    %get3A_21 = vector.load %arg4[%get3A_19, %get3A_20] : memref<128x128xf32, #tpu.memory_space<vmem>>, vector<128x128xf32>
    %dot_general3A = arith.constant dense<0.000000e+00> : vector<1000x128xf32>
    %dot_general3A_22 = tpu.matmul %div3A_7, %get3A_21, %dot_general3A {dimension_numbers = #tpu.dot_dimension_numbers<[1], [0], [0], [1], [0, 0, 1, 1], [], []>, transpose_lhs_hint = false} : vector<1000x128xf32>, vector<128x128xf32>, vector<1000x128xf32> -> vector<1000x128xf32>
    %get3A_23 = arith.constant 0 : index
    %get3A_24 = arith.constant 0 : index
    %get3A_25 = vector.load %arg5[%get3A_23, %get3A_24] : memref<128x128xf32, #tpu.memory_space<vmem>>, vector<128x128xf32>
    %dot_general3A_26 = arith.constant dense<0.000000e+00> : vector<1000x128xf32>
    %dot_general3A_27 = tpu.matmul %div3A_18, %get3A_25, %dot_general3A_26 {dimension_numbers = #tpu.dot_dimension_numbers<[1], [0], [0], [1], [0, 0, 1, 1], [], []>, transpose_lhs_hint = false} : vector<1000x128xf32>, vector<128x128xf32>, vector<1000x128xf32> -> vector<1000x128xf32>
    %add3A = arith.addf %dot_general3A_22, %dot_general3A_27 : vector<1000x128xf32>
    %get3A_28 = arith.constant 0 : index
    %get3A_29 = arith.constant 0 : index
    %get3A_30 = vector.load %arg1[%get3A_28, %get3A_29] : memref<1000x128xf32, #tpu.memory_space<vmem>>, vector<1000x128xf32>
    %get3A_31 = arith.constant 0 : index
    %get3A_32 = arith.constant 0 : index
    %get3A_33 = vector.load %arg6[%get3A_31, %get3A_32] : memref<128x128xf32, #tpu.memory_space<vmem>>, vector<128x128xf32>
    %get3A_34 = arith.constant 0 : index
    %get3A_35 = arith.constant 0 : index
    %get3A_36 = vector.load %arg7[%get3A_34, %get3A_35] : memref<128x128xf32, #tpu.memory_space<vmem>>, vector<128x128xf32>
    %add3A_37 = arith.addf %get3A_33, %get3A_36 : vector<128x128xf32>
    %dot_general3A_38 = arith.constant dense<0.000000e+00> : vector<1000x128xf32>
    %dot_general3A_39 = tpu.matmul %get3A_30, %add3A_37, %dot_general3A_38 {dimension_numbers = #tpu.dot_dimension_numbers<[1], [0], [0], [1], [0, 0, 1, 1], [], []>, transpose_lhs_hint = false} : vector<1000x128xf32>, vector<128x128xf32>, vector<1000x128xf32> -> vector<1000x128xf32>
    %add3A_40 = arith.addf %add3A, %dot_general3A_39 : vector<1000x128xf32>
    %get3A_41 = arith.constant 0 : index
    %get3A_42 = arith.constant 0 : index
    %get3A_43 = vector.load %arg8[%get3A_41, %get3A_42] : memref<1x128xf32, #tpu.memory_space<vmem>>, vector<1x128xf32>
    %add3A_44 = vector.broadcast %get3A_43 : vector<1x128xf32> to vector<1000x128xf32>
    %add3A_45 = arith.addf %add3A_40, %add3A_44 : vector<1000x128xf32>
    %get3A_46 = arith.constant 0 : index
    %get3A_47 = arith.constant 0 : index
    %get3A_48 = vector.load %arg9[%get3A_46, %get3A_47] : memref<1x128xf32, #tpu.memory_space<vmem>>, vector<1x128xf32>
    %add3A_49 = vector.broadcast %get3A_48 : vector<1x128xf32> to vector<1000x128xf32>
    %add3A_50 = arith.addf %add3A_45, %add3A_49 : vector<1000x128xf32>
    %max3A_51 = arith.constant 0.000000e+00 : f32
    %max3A_52 = vector.broadcast %max3A_51 : f32 to vector<1000x128xf32>
    %max3A_53 = arith.maximumf %add3A_50, %max3A_52 : vector<1000x128xf32>
    %reduce_sum3A = arith.constant dense<0.000000e+00> : vector<1000xf32>
    %reduce_sum3A_54 = vector.multi_reduction <add>, %max3A_53, %reduce_sum3A [1] : vector<1000x128xf32> to vector<1000xf32>
    %broadcast_in_dim3A = vector.shape_cast %reduce_sum3A_54 : vector<1000xf32> to vector<1000x1xf32>
    %div3A_55 = arith.constant 1.280000e+02 : f32
    %div3A_56 = vector.broadcast %div3A_55 : f32 to vector<1000x1xf32>
    %div3A_57 = arith.divf %broadcast_in_dim3A, %div3A_56 : vector<1000x1xf32>
    %sub3A = vector.broadcast %div3A_57 : vector<1000x1xf32> to vector<1000x128xf32>
    %sub3A_58 = arith.subf %max3A_53, %sub3A : vector<1000x128xf32>
    %mul3A = arith.mulf %sub3A_58, %sub3A_58 : vector<1000x128xf32>
    %reduce_sum3A_59 = arith.constant dense<0.000000e+00> : vector<1000xf32>
    %reduce_sum3A_60 = vector.multi_reduction <add>, %mul3A, %reduce_sum3A_59 [1] : vector<1000x128xf32> to vector<1000xf32>
    %broadcast_in_dim3A_61 = vector.shape_cast %reduce_sum3A_60 : vector<1000xf32> to vector<1000x1xf32>
    %div3A_62 = arith.constant 1.280000e+02 : f32
    %div3A_63 = vector.broadcast %div3A_62 : f32 to vector<1000x1xf32>
    %div3A_64 = arith.divf %broadcast_in_dim3A_61, %div3A_63 : vector<1000x1xf32>
    %add3A_65 = arith.constant 9.99999974E-6 : f32
    %add3A_66 = vector.broadcast %add3A_65 : f32 to vector<1000x1xf32>
    %add3A_67 = arith.addf %div3A_64, %add3A_66 : vector<1000x1xf32>
    %rsqrt3A = math.rsqrt %add3A_67 : vector<1000x1xf32>
    %mul3A_68 = vector.broadcast %rsqrt3A : vector<1000x1xf32> to vector<1000x128xf32>
    %mul3A_69 = arith.mulf %sub3A_58, %mul3A_68 : vector<1000x128xf32>
    %get3A_70 = arith.constant 0 : index
    %get3A_71 = arith.constant 0 : index
    %get3A_72 = vector.load %arg10[%get3A_70, %get3A_71] : memref<1x128xf32, #tpu.memory_space<vmem>>, vector<1x128xf32>
    %mul3A_73 = vector.broadcast %get3A_72 : vector<1x128xf32> to vector<1000x128xf32>
    %mul3A_74 = arith.mulf %mul3A_69, %mul3A_73 : vector<1000x128xf32>
    %get3A_75 = arith.constant 0 : index
    %get3A_76 = arith.constant 0 : index
    %get3A_77 = vector.load %arg11[%get3A_75, %get3A_76] : memref<1x128xf32, #tpu.memory_space<vmem>>, vector<1x128xf32>
    %add3A_78 = vector.broadcast %get3A_77 : vector<1x128xf32> to vector<1000x128xf32>
    %add3A_79 = arith.addf %mul3A_74, %add3A_78 : vector<1000x128xf32>
    %swap3A = arith.constant 0 : index
    %swap3A_80 = arith.constant 0 : index
    %swap3A_81 = vector.load %arg12[%swap3A, %swap3A_80] : memref<1000x128xf32, #tpu.memory_space<vmem>>, vector<1000x128xf32>
    tpu.vector_store %arg12[%swap3A, %swap3A_80], %add3A_79 {strides = array<i32>} : memref<1000x128xf32, #tpu.memory_space<vmem>>, vector<1000x128xf32>,
    return
  }
  func.func @transform_0(%arg0: i32) -> (i32, i32) {
    %c0_i32 = arith.constant 0 : i32
    %c0_i32_0 = arith.constant 0 : i32
    return %arg0, %c0_i32 : i32, i32
  }
  func.func @transform_1(%arg0: i32) -> (i32, i32) {
    %c0_i32 = arith.constant 0 : i32
    %c0_i32_0 = arith.constant 0 : i32
    return %arg0, %c0_i32 : i32, i32
  }
  func.func @transform_2(%arg0: i32) -> (i32, i32) {
    %c0_i32 = arith.constant 0 : i32
    %c0_i32_0 = arith.constant 0 : i32
    return %arg0, %c0_i32 : i32, i32
  }
  func.func @transform_3(%arg0: i32) -> (i32, i32) {
    %c0_i32 = arith.constant 0 : i32
    %c0_i32_0 = arith.constant 0 : i32
    %c0_i32_1 = arith.constant 0 : i32
    return %c0_i32, %c0_i32_0 : i32, i32
  }
  func.func @transform_4(%arg0: i32) -> (i32, i32) {
    %c0_i32 = arith.constant 0 : i32
    %c0_i32_0 = arith.constant 0 : i32
    %c0_i32_1 = arith.constant 0 : i32
    return %c0_i32, %c0_i32_0 : i32, i32
  }
  func.func @transform_5(%arg0: i32) -> (i32, i32) {
    %c0_i32 = arith.constant 0 : i32
    %c0_i32_0 = arith.constant 0 : i32
    %c0_i32_1 = arith.constant 0 : i32
    return %c0_i32, %c0_i32_0 : i32, i32
  }
  func.func @transform_6(%arg0: i32) -> (i32, i32) {
    %c0_i32 = arith.constant 0 : i32
    %c0_i32_0 = arith.constant 0 : i32
    %c0_i32_1 = arith.constant 0 : i32
    return %c0_i32, %c0_i32_0 : i32, i32
  }
  func.func @transform_7(%arg0: i32) -> (i32, i32) {
    %c0_i32 = arith.constant 0 : i32
    %c0_i32_0 = arith.constant 0 : i32
    %c0_i32_1 = arith.constant 0 : i32
    return %c0_i32, %c0_i32_0 : i32, i32
  }
  func.func @transform_8(%arg0: i32) -> (i32, i32) {
    %c0_i32 = arith.constant 0 : i32
    %c0_i32_0 = arith.constant 0 : i32
    %c0_i32_1 = arith.constant 0 : i32
    return %c0_i32, %c0_i32_0 : i32, i32
  }
  func.func @transform_9(%arg0: i32) -> (i32, i32) {
    %c0_i32 = arith.constant 0 : i32
    %c0_i32_0 = arith.constant 0 : i32
    %c0_i32_1 = arith.constant 0 : i32
    return %c0_i32, %c0_i32_0 : i32, i32
  }
  func.func @transform_10(%arg0: i32) -> (i32, i32) {
    %c0_i32 = arith.constant 0 : i32
    %c0_i32_0 = arith.constant 0 : i32
    %c0_i32_1 = arith.constant 0 : i32
    return %c0_i32, %c0_i32_0 : i32, i32
  }
  func.func @transform_11(%arg0: i32) -> (i32, i32) {
    %c0_i32 = arith.constant 0 : i32
    %c0_i32_0 = arith.constant 0 : i32
    return %arg0, %c0_i32 : i32, i32
  }
}

</mosaic_0001>

<sc_bundles>
// kernel: kernel.4.cloned.1.call-start
scs
__scs_entry_jumppad:
0x0: {  	(pc) =	sbr.rel $0x88, $3  }
0x1: {  	(tag) =	ssettag $0x0;
	lr =	simm.s32 $0x1  }
0x2: {  	[smem:$0x3F95] =	sst lr;
	_ =	strace $0xD0000000  }
0x3: {  	_ = 	snop  }
0x4: {  	_ = 	snop  }
0x5: {  	_ = 	snop  }
0x6: {  	_ = 	snop  }
0x7: {  	_ = 	snop  }
__scs_overlays_trampoline_lowered:
0x8: {  	[smem:$0x3FA4] =	sst s0  }
0x9: {  	[smem:$0x3FA5] =	sst s1  }
0xa: {  	[smem:$0x3FA6] =	sst s2  }
0xb: {  	[smem:$0x3FA7] =	sst s3  }
0xc: {  	[smem:$0x3FA8] =	sst s4  }
0xd: {  	[smem:$0x3FA9] =	sst s5  }
0xe: {  	[smem:$0x3FAA] =	sst s6  }
0xf: {  	[smem:$0x3FAB] =	sst s7  }
0x10: {  	[smem:$0x3FAC] =	sst s8  }
0x11: {  	[smem:$0x3FAD] =	sst s9;
	s0 =	simm.s32 @!p0 $0x0  }
0x12: {  	s1 =	sld [smem:$0x3F93];
	s0 =	simm.s32 @p0 $0x1  }
0x13: {  	[smem:$0x3FAE] =	sst s0;
	s0 =	simm.s32 @!p1 $0x0  }
0x14: {  	s2 =	sld [smem:$0x3F92];
	s0 =	simm.s32 @p1 $0x1  }
0x15: {  	[smem:$0x3FAF] =	sst s0;
	s0 =	simm.s32 @!p2 $0x0  }
0x16: {  	s3 =	sld [smem:$0x3FDB];
	s0 =	simm.s32 @p2 $0x1  }
0x17: {  	s4 =	simm.s32 $0x1BF5;
	[smem:$0x3FB1] =	sst s0  }
0x18: {  	s0 =	sld [smem:$0x3F94];
	_ =	swait.ge [sflag:s4], $0x0  }
0x19: {  	s7 =	sld [smem:$0x3F95]  }
0x1a: {  	s8 =	sadd.s32 $0xFFFFE003, lr  }
0x1b: {  	s9 =	sadd.s32 $0xFFFFFEF7, lr;
	s5 =	simm.s32 $0xFFFFFFFF;
	p2 =	slt.u32 s8, $0xFFFFF086  }
0x1c: {  	p1 =	slt.u32 s9, $0xF7A;
	s5 =	simm.s32 @!p2 $0x0  }
0x1d: {  	s5 =	simm.s32 @p1 $0x1;
	p0 =	seq.s32 s7, s2  }
0x1e: {  	s7 =	smul.u32 @!p0 $0xF7A, s2;
	p2 =	seq.s32 @!p0 s5, $0x0  }
0x1f: {  	s9 =	smul.u32 $0xF7A, s1;
	s8 =	simm.s32 @!p0 $0x1BF5;
	p2 =	por !p2, p0  }
0x20: {  	[sflag:s8] =	ssyncset.s32 @!p0 $0xFFFFF086;
	s6 =	sadd.s32 @!p0 s3, s7;
	s7 =	simm.s32 @!p0 $0x108  }
0x21: {  	s3 =	sadd.s32 s3, s9;
	s6 =	sadd.s32 @!p0 $0x88, s6;
	s7 =	simm.s32 @p2 $0x1082  }
0x22: {  	[simem:s7], [sflag:s8] =	dma.local @!p0 [hbm:s6], $0xF7A  }
0x23: {  	s9 =	sor.u32 $0xD0000000, s2;
	s6 =	simm.s32 $0x108;
	_ =	swait.ge @!p0 [sflag:s8], $0x0  }
0x24: {  	s3 =	sadd.s32 $0x88, s3;
	s6 =	simm.s32 @!p1 $0x1082;
	[sflag:s4] =	ssyncset.s32 $0xFFFFF086  }
0x25: {  	[simem:s6], [sflag:s4] =	dma.local [hbm:s3], $0xF7A  }
0x26: {  	[smem:$0x3F95] =	sst s1;
	(tag) =	ssettag s2;
	_ =	strace s9  }
0x27: {  	s1 =	sld [smem:$0x3FA5]  }
0x28: {  	s2 =	sld [smem:$0x3FA6]  }
0x29: {  	s4 =	sld [smem:$0x3FA8]  }
0x2a: {  	p0 =	seq.s32 s5, $0x0;
	s5 =	sld [smem:$0x3FA9]  }
0x2b: {  	s6 =	sld [smem:$0x3FAA]  }
0x2c: {  	s7 =	sld [smem:$0x3FAB]  }
0x2d: {  	s3 =	simm.s32 $0x108;
	s8 =	sld [smem:$0x3FAC]  }
0x2e: {  	s3 =	simm.s32 @!p0 $0x1082;
	s9 =	sld [smem:$0x3FAD]  }
0x2f: {  	lr =	sadd.s32 s0, s3;
	s0 =	sld [smem:$0x3FA4]  }
0x30: {  	s3 =	sld [smem:$0x3FA7]  }
0x31: {  	[smem:$0x3FB0] =	sst s10  }
0x32: {  	s10 =	sld [smem:$0x3FAE];
	_ =	sdelay $0x3  }
0x33: {  	p0 =	seq.s32 s10, $0x1;
	s10 =	sld [smem:$0x3FB0];
	_ =	sdelay $0x3  }
0x34: {  	[smem:$0x3FB0] =	sst s10  }
0x35: {  	s10 =	sld [smem:$0x3FAF];
	_ =	sdelay $0x3  }
0x36: {  	p1 =	seq.s32 s10, $0x1;
	s10 =	sld [smem:$0x3FB0];
	_ =	sdelay $0x3  }
0x37: {  	[smem:$0x3FB0] =	sst s10  }
0x38: {  	s10 =	sld [smem:$0x3FB1]  }
0x39: {  	_ = 	snop;
	(pc) =	sbr.ind lr, $3  }
0x3a: {  	_ = 	snop  }
0x3b: {  	_ = 	snop  }
0x3c: {  	p2 =	seq.s32 s10, $0x1;
	s10 =	sld [smem:$0x3FB0]  }
0x3d: {  	_ =	shalt  }
0x3e: {  	_ =	shalt  }
0x3f: {  	_ =	shalt  }
0x40: {  	_ =	shalt  }
0x41: {  	_ =	shalt  }
0x42: {  	_ =	shalt  }
0x43: {  	_ =	shalt  }
0x44: {  	_ =	shalt  }
0x45: {  	_ =	shalt  }
0x46: {  	_ =	shalt  }
0x47: {  	_ =	shalt  }
0x48: {  	_ =	shalt  }
0x49: {  	_ =	shalt  }
0x4a: {  	_ =	shalt  }
0x4b: {  	_ =	shalt  }
0x4c: {  	_ =	shalt  }
0x4d: {  	_ =	shalt  }
0x4e: {  	_ =	shalt  }
0x4f: {  	_ =	shalt  }
0x50: {  	_ =	shalt  }
0x51: {  	_ =	shalt  }
0x52: {  	_ =	shalt  }
0x53: {  	_ =	shalt  }
0x54: {  	_ =	shalt  }
0x55: {  	_ =	shalt  }
0x56: {  	_ =	shalt  }
0x57: {  	_ =	shalt  }
0x58: {  	_ =	shalt  }
0x59: {  	_ =	shalt  }
0x5a: {  	_ =	shalt  }
0x5b: {  	_ =	shalt  }
0x5c: {  	_ =	shalt  }
0x5d: {  	_ =	shalt  }
0x5e: {  	_ =	shalt  }
0x5f: {  	_ =	shalt  }
0x60: {  	_ =	shalt  }
0x61: {  	_ =	shalt  }
0x62: {  	_ =	shalt  }
0x63: {  	_ =	shalt  }
0x64: {  	_ =	shalt  }
0x65: {  	_ =	shalt  }
0x66: {  	_ =	shalt  }
0x67: {  	_ =	shalt  }
0x68: {  	_ =	shalt  }
0x69: {  	_ =	shalt  }
0x6a: {  	_ =	shalt  }
0x6b: {  	_ =	shalt  }
0x6c: {  	_ =	shalt  }
0x6d: {  	_ =	shalt  }
0x6e: {  	_ =	shalt  }
0x6f: {  	_ =	shalt  }
0x70: {  	_ =	shalt  }
0x71: {  	_ =	shalt  }
0x72: {  	_ =	shalt  }
0x73: {  	_ =	shalt  }
0x74: {  	_ =	shalt  }
0x75: {  	_ =	shalt  }
0x76: {  	_ =	shalt  }
0x77: {  	_ =	shalt  }
0x78: {  	_ =	shalt  }
0x79: {  	_ =	shalt  }
0x7a: {  	_ =	shalt  }
0x7b: {  	_ =	shalt  }
0x7c: {  	_ =	shalt  }
0x7d: {  	_ =	shalt  }
0x7e: {  	_ =	shalt  }
0x7f: {  	_ =	shalt  }
0x80: {  	_ =	shalt  }
0x81: {  	_ =	shalt  }
0x82: {  	_ =	shalt  }
0x83: {  	_ =	shalt  }
0x84: {  	_ =	shalt  }
0x85: {  	_ =	shalt  }
0x86: {  	_ =	shalt  }
0x87: {  	_ =	shalt  }
.Lfunc_end0:
.L_simem_size_0:
called_computation_lowered:
.L_overlay_start_0:
0x88: {  	s2 =	sld [smem:$0x3FD9]  }
0x89: {  	s3 =	sld [smem:$0x3FFE];
	_ =	sdelay $0x1  }
0x8a: {  	s1 =	srdreg.scid  }
0x8b: {  	s0 =	sand.u32 $0x1, s1  }
0x8c: {  	s17 =	sshll.u32 s0, $0xA;
	s2 =	sadd.s32 s3, s2  }
0x8d: {  	s2 =	sadd.s32 s2, s17  }
0x8e: {  	[smem:$0x3FBC] =	sst s2  }
0x8f: {  	_ = 	snop  }
0x90: {  	s2 =	sld [smem:$0x3FD0];
	(tm) =	ssettm $0x1  }
0x91: {  	s18 =	sld [smem:$0x3FFB];
	_ =	sdelay $0x3  }
0x92: {  	_ =	strace s18  }
0x93: {  	s3 =	sld [smem:$0x3FFC];
	_ =	sdelay $0x3  }
0x94: {  	_ =	strace s3  }
0x95: {  	s3 =	sld [smem:$0x3FFD];
	_ =	sdelay $0x3  }
0x96: {  	_ =	strace s3  }
0x97: {  	_ =	strace $0x8FFFFFFF  }
0x98: {  	s19 =	sld [smem:$0x3FDB];
	_ =	sdelay $0x1  }
0x99: {  	s4 =	simm.s32 $_scs_section_size  }
0x9a: {  	s5 =	simm.s32 $_size__tile_overlayer_lowered;
	s6 =	simm.s32 $_tile_overlayer_lowered  }
0x9b: {  	s22 =	simm.s32 $0x1BFF;
	s21 =	sshll.u32 s6, $0x1;
	s3 =	sadd.s32 s4, s19  }
0x9c: {  	s7 =	simm.s32 $0x0;
	s20 =	sshll.u32 s5, $0x1;
	s5 =	sadd.s32 s21, s3  }
0x9d: {  	[timem:s7], [sflag:s22] =	dma.local [hbm:s5], s20  }
0x9e: {  	_ =	swait.ge [sflag:s22], s20  }
0x9f: {  	s4 =	ssub.s32 $0x0, s20;
	[sflag:s22] =	ssyncset.done $0x0  }
0xa0: {  	[sflag:s22] =	ssyncadd.s32 s4;
	_ =	sdelay $0x1  }
0xa1: {  	s23 =	simm.s32 $0x1B8B  }
0xa2: {  	_ =	swait.ge [sflag:s23], $0x1  }
0xa3: {  	[sflag:s23] =	ssyncset.done $0x0  }
0xa4: {  	s25 =	simm.s32 $0x1B8E;
	s24 =	sld [smem:$0x3FFE];
	[sflag:s23] =	ssyncadd.s32 $0xFFFFFFFF  }
0xa5: {  	s26 =	simm.s32 $execute0_lowered;
	[smem:$0x3FD2] =	sst s25  }
0xa6: {  	s5 =	sshll.u32 s26, $0x1;
	_ =	strace $0x80000046;
	[dreg:$0x1] =	wrdreg $0xFFFFFFFF  }
0xa7: {  	s28 =	simm.s32 $_size_execute0_lowered;
	s3 =	sadd.s32 s3, s5;
	[dreg:$0x0] =	wrdreg $0x0  }
0xa8: {  	s5 =	sshll.u32 s28, $0x1;
	[dreg:$0x2] =	wrdreg s3  }
0xa9: {  	[dreg:$0x3] =	wrdreg s5  }
0xaa: {  	[dreg:$0x4] =	wrdreg $0xC0  }
0xab: {  	_ =	task [dreg:s7], $0x5FFFF  }
0xac: {  	[dreg:$0x1] =	wrdreg $0xFFFFFFFF  }
0xad: {  	[dreg:$0x0] =	wrdreg $0x60  }
0xae: {  	[dreg:$0x2] =	wrdreg s2  }
0xaf: {  	[dreg:$0x3] =	wrdreg s24  }
0xb0: {  	[dreg:$0x4] =	wrdreg $0x0  }
0xb1: {  	[dreg:$0x5] =	wrdreg $0x9  }
0xb2: {  	_ =	task.clear_ibuf [dreg:s7], $0x6FFFF;
	_ =	strace $0x90000046  }
0xb3: {  	s29 =	simm.s32 $0x9;
	_ =	strace $0x80000048  }
0xb4: {  	_ =	swait.ge [sflag:s29], $0x1  }
0xb5: {  	[sflag:s29] =	ssyncadd.s32 $0xFFFFFFFF  }
0xb6: {  	_ =	strace $0x90000048  }
0xb7: {  	_ =	sfence  }
0xb8: {  	s30 =	sld [smem:$0x0];
	_ =	sdelay $0x2  }
0xb9: {  	s31 =	sshll.u32 s1, $0xD;
	s1 =	sshrl.u32 s1, $0x2  }
0xba: {  	s3 =	sand.u32 $0x4000, s31;
	s1 =	sadd.s32 s1, s30  }
0xbb: {  	s0 =	sor.u32 s3, s0;
	s1 =	sshll.u32 s1, $0x11  }
0xbc: {  	s0 =	sor.u32 s1, s0  }
0xbd: {  	s0 =	sadd.s32 $0x8F2B, s0  }
0xbe: {  	[sflag:s0] =	ssyncadd.remote.s32 $0x1  }
0xbf: {  	_ =	sfence.sel $0xFFFF  }
0xc0: {  	[dreg:$0x0] =	wrdreg $0xFFFFFFFF;
	(pc) =	sbr.abs _section_cstart, $3  }
0xc1: {  	[dreg:$0x1] =	wrdreg $0xFFFFFFFF  }
0xc2: {  	_ =	task.clear_ibuf [dreg:s7], $0x2FFFF;
	_ =	strace $0x9FFFFFFF  }
0xc3: {  	(tm) =	ssettm $0x7FFFFFFF  }
tec
execute0_lowered:
.L_overlay_start_1:
0x0: {  	(tag) =	ssettag $0x1  }
0x1: {  	s1 =	rddreg [dreg:$0x0]  }
0x2: {  	s0 =	rddreg [dreg:$0x1]  }
0x3: {  	s2 =	rddreg [dreg:$0x2]  }
0x4: {  	s3 =	simm.s32 $0x0;
	s5 =	srdreg.scid;
	s14 =	stileid.u32  }
0x5: {  	s20 =	simm.s32 $0x1B380;
	s21 =	simm.s32 $0x4;
	s22 =	simm.s32 $0x16380  }
0x6: {  	s28 =	simm.s32 $0x19380;
	s29 =	simm.s32 $0x2;
	s30 =	simm.s32 $0x3  }
0x7: {  	s31 =	simm.s32 $0x0;
	[smem:$0x7FF] =	sst s3;
	s4 =	sadd.s32 $0x28E00, s0  }
0x8: {  	s6 =	sadd.s32 $0x14E00, s0;
	s7 =	sadd.s32 $0xE00, s0;
	s8 =	sadd.s32 $0x1EE00, s0  }
0x9: {  	s9 =	sadd.s32 $0xAE00, s0;
	s5 =	sand.u32 $0x1, s5;
	s10 =	smul.u32 $0x58E00, s14  }
0xa: {  	s11 =	sadd.s32 $0x69000, s0;
	s13 =	smul.u32 $0x16380, s14;
	s0 =	sadd.s32 $0x3C800, s0  }
0xb: {  	s17 =	smul.u32 $0x5000, s14;
	_ =	strace $0x80000047;
	[dreg:$0x4] =	wrdreg s11  }
0xc: {  	s23 =	ssub.s32 $0x2, s5;
	[dreg:$0x5] =	wrdreg s0;
	p0 =	sne.s32 s5, $0x0  }
0xd: {  	s24 =	sshrl.u32 s23, $0x1;
	s10 =	sshrl.u32 s10, $0x2;
	s12 =	sadd.s32 s13, s2  }
.Ltmp0:
0xe: {  	s18 =	sshrl.u32 s13, $0x3;
	s0 =	ssub.s32 s23, s24;
	(pc) =	sbr.rel .LBB2_1-.Ltmp0, $4  }
0xf: {  	s10 =	sadd.s32 s10, s2;
	s23 =	simm.s32 $0x16B80;
	s24 =	simm.s32 $0x80  }
0x10: {  	s25 =	sadd.s32 $0x4800, s10;
	s26 =	sadd.s32 $0x9000, s10;
	s15 =	sadd.s32 $0xD800, s10  }
0x11: {  	s16 =	sadd.s32 $0x12000, s10;
	s19 =	smax.u32 s0, $0x1;
	[dreg:$0x6] =	wrdreg s25  }
0x12: {  	v0 =	vimm.f32 $0.0e+00;
	v1 =	vimm.f32 $1.000000000e+00;
	[dreg:$0x7] =	wrdreg s26;
	s25 =	simm.s32 $0x17380;
	s26 =	simm.s32 $0x1  }
.LBB2_22:
0x13: {  	s0 =	sadd.s32 s0, s18;
	s5 =	stileid.u32;
	s3 =	sadd.s32 $0x1, s3  }
0x14: {  	[bflag:$0x0] =	sbarrier.arrive $0xFFFF;
	s5 =	sshll.u32 s5, $0x6;
	p1 =	sne.s32 s3, s19  }
.Ltmp1:
0x15: {  	s10 =	sshrl.u32 s12, $0x3;
	s5 =	sor.u32 $0x1C04, s5;
	(pc) =	sbr.rel @!p1 .LBB2_23-.Ltmp1, $4  }
0x16: {  	[hbm:s0], [sflag:s5] =	dma.local [spmem:s10], $0x2C70  }
0x17: {  	_ =	swait.ge [sflag:s21], $0x2C70  }
0x18: {  	[sflag:s21] =	ssyncset.done $0x0  }
0x19: {  	[sflag:s21] =	ssyncadd.s32 $0xFFFFD390  }
.LBB2_1:
0x1a: {  	s0 =	simm.s32 $0x0;
	s5 =	simm.s32 $0x240  }
.LBB2_2:
0x1b: {  	p1 =	sne.s32 s5, $0x11DC0;
	[tilespmem:s0+$0x1B400] =	vst v0  }
0x1c: {  	[tilespmem:s0+$0x1B380] =	vst v0  }
0x1d: {  	[tilespmem:s0+$0x1B390] =	vst v0  }
0x1e: {  	[tilespmem:s0+$0x1B3A0] =	vst v0  }
.Ltmp2:
0x1f: {  	[tilespmem:s0+$0x1B3B0] =	vst v0;
	(pc) =	sbr.rel @p1 .LBB2_2-.Ltmp2, $4  }
0x20: {  	[tilespmem:s0+$0x1B3C0] =	vst v0  }
0x21: {  	[tilespmem:s0+$0x1B3D0] =	vst v0  }
0x22: {  	[tilespmem:s0+$0x1B3E0] =	vst v0  }
0x23: {  	[tilespmem:s0+$0x1B3F0] =	vst v0;
	s0 =	sshra.s32 s5, $0x2;
	s5 =	sadd.s32 $0x240, s5  }
0x24: {  	[tilespmem:s0+$0x1B400] =	vst v0  }
0x25: {  	[tilespmem:s0+$0x1B380] =	vst v0  }
0x26: {  	[tilespmem:s0+$0x1B390] =	vst v0  }
0x27: {  	[tilespmem:s0+$0x1B3A0] =	vst v0  }
0x28: {  	[tilespmem:s0+$0x1B3B0] =	vst v0  }
0x29: {  	[tilespmem:s0+$0x1B3C0] =	vst v0  }
0x2a: {  	[tilespmem:s0+$0x1B3D0] =	vst v0  }
0x2b: {  	[tilespmem:s0+$0x1B3E0] =	vst v0  }
0x2c: {  	[tilespmem:s0+$0x1B3F0] =	vst v0  }
0x2d: {  	[spmem:s12] =	stream.linear.scatter [tilespmem:s20], [sflag:$0x4], $0x4800, $0x38;
	[tilespmem:$0x1FB80] =	vst v63  }
0x2e: {  	_ =	swait.ge [sflag:s21], $0x4800  }
0x2f: {  	[sflag:s21] =	ssyncset.done $0x0  }
0x30: {  	s13 =	rddreg [dreg:$0x6];
	[sflag:s21] =	ssyncadd.s32 $0xFFFFB800  }
0x31: {  	[spmem:s13] =	stream.linear.scatter [tilespmem:s20], [sflag:$0x4], $0x4800, $0x38;
	[tilespmem:$0x1FB80] =	vst v63  }
0x32: {  	_ =	swait.ge [sflag:s21], $0x4800  }
0x33: {  	[sflag:s21] =	ssyncset.done $0x0  }
0x34: {  	s14 =	rddreg [dreg:$0x7];
	[sflag:s21] =	ssyncadd.s32 $0xFFFFB800  }
0x35: {  	[spmem:s14] =	stream.linear.scatter [tilespmem:s20], [sflag:$0x4], $0x4800, $0x38;
	[tilespmem:$0x1FB80] =	vst v63  }
0x36: {  	_ =	swait.ge [sflag:s21], $0x4800  }
0x37: {  	[sflag:s21] =	ssyncset.done $0x0  }
0x38: {  	[sflag:s21] =	ssyncadd.s32 $0xFFFFB800  }
0x39: {  	[spmem:s15] =	stream.linear.scatter [tilespmem:s20], [sflag:$0x4], $0x4800, $0x38;
	[tilespmem:$0x1FB80] =	vst v63  }
0x3a: {  	_ =	swait.ge [sflag:s21], $0x4800  }
0x3b: {  	[sflag:s21] =	ssyncset.done $0x0  }
0x3c: {  	[sflag:s21] =	ssyncadd.s32 $0xFFFFB800  }
0x3d: {  	[spmem:s16] =	stream.linear.scatter [tilespmem:s20], [sflag:$0x4], $0x4380, $0x38;
	[tilespmem:$0x1FB80] =	vst v63  }
0x3e: {  	_ =	swait.ge [sflag:s21], $0x4380  }
0x3f: {  	[sflag:s21] =	ssyncset.done $0x0  }
0x40: {  	s0 =	simm.s32 $0x440;
	s5 =	simm.s32 $0x80;
	[sflag:s21] =	ssyncadd.s32 $0xFFFFBC80  }
.LBB2_4:
0x41: {  	p1 =	sne.s32 s0, $0x11FC0;
	[tilespmem:s5+$0x1B380] =	vst v1;
	s5 =	smov.u32 s0;
	s0 =	sadd.s32 $0x240, s0  }
.Ltmp3:
0x42: {  	(pc) =	sbr.rel @p1 .LBB2_4-.Ltmp3, $2  }
0x43: {  	_ =	sdelay $0x2  }
0x44: {  	s5 =	sshra.s32 s5, $0x2  }
.Ltmp4:
0x45: {  	(pc) =	sbr.rel @p0 .LBB2_14-.Ltmp4, $4  }
0x46: {  	_ = 	snop  }
0x47: {  	[tilespmem:s5+$0x1B380] =	vst v1  }
0x48: {  	[bflag:$0x0] =	sbarrier.arrive $0xFFFF  }
0x49: {  	s0 =	simm.s32 $0x0;
	s10 =	simm.s32 $0x0  }
.LBB2_6:
0x4a: {  	s5 =	sshll.u32 s0, $0xB  }
0x4b: {  	s5 =	sadd.s32 s17, s5  }
0x4c: {  	s5 =	sshrl.u32 s5, $0x3  }
0x4d: {  	s10 =	sadd.s32 s6, s5  }
0x4e: {  	[tilespmem:s22], [sflag:$0x4] =	stream.linear.gather [hbm4b:s10+s31], $0x800, $0x38;
	[tilespmem:$0x1FB80] =	vst v63  }
0x4f: {  	_ =	swait.ge [sflag:s21], $0x800  }
0x50: {  	[sflag:s21] =	ssyncset.done $0x0  }
0x51: {  	s5 =	sadd.s32 s7, s5;
	[sflag:s21] =	ssyncadd.s32 $0xFFFFF800  }
0x52: {  	[tilespmem:s23], [sflag:$0x4] =	stream.linear.gather [hbm4b:s5+s31], $0x800, $0x38;
	[tilespmem:$0x1FB80] =	vst v63  }
0x53: {  	_ =	swait.ge [sflag:s21], $0x800  }
0x54: {  	[sflag:s21] =	ssyncset.done $0x0  }
0x55: {  	s10 =	simm.s32 $0x0;
	[sflag:s21] =	ssyncadd.s32 $0xFFFFF800  }
0x56: {  	[tilespmem:s25], [sflag:$0x1] =	stream.indirect.gather [hbm4b:s1+s24], $0x40, s22, s24, $0xb8;
	[tilespmem:$0x1FB80] =	vst v63  }
.LBB2_7:
0x57: {  	_ =	swait.ge [sflag:s26], $0x2000  }
0x58: {  	s11 =	sshll.u32 s10, $0x8;
	[sflag:s26] =	ssyncset.done $0x0  }
0x59: {  	p1 =	seq.s32 s10, $0x0;
	s5 =	sadd.s32 $0x16400, s11;
	[sflag:s26] =	ssyncadd.s32 $0xFFFFE000  }
0x5a: {  	[tilespmem:s28], [sflag:$0x2] =	stream.indirect.gather [hbm4b:s1+s24], $0x40, s5, s24, $0xb8;
	[tilespmem:$0x1FB80] =	vst v63  }
0x5b: {  	s5 =	simm.s32 @!p1 $0x3  }
0x5c: {  	_ =	swait.ge @!p1 [sflag:s5], $0x4800  }
0x5d: {  	[sflag:s5] =	ssyncset.done @!p1 $0x0  }
0x5e: {  	s13 =	simm.s32 $0x0;
	[sflag:s5] =	ssyncadd.s32 @!p1 $0xFFFFB800  }
0x5f: {  	v2 =	vld [tilespmem:s13+$0x17380];
	_ =	sdelay $0x4  }
0x60: {  	s5 =	simm.s32 $0x1B3C0;
	v3 =	vshll.u32 v2, $0x10  }
0x61: {  	v2 =	vand.u32 $0xFFFF0000, v2;
	[tilespmem:s5+$0xFFFFFFC0] =	vst v3  }
0x62: {  	[tilespmem:s5+$0x0] =	vst v2  }
0x63: {  	v2 =	vld [tilespmem:s13+$0x17390];
	_ =	sdelay $0x4  }
0x64: {  	v3 =	vshll.u32 v2, $0x10  }
0x65: {  	v2 =	vand.u32 $0xFFFF0000, v2;
	[tilespmem:s5+$0xFFFFFFD0] =	vst v3  }
0x66: {  	[tilespmem:s5+$0x10] =	vst v2  }
0x67: {  	v2 =	vld [tilespmem:s13+$0x173A0];
	_ =	sdelay $0x4  }
0x68: {  	v3 =	vand.u32 $0xFFFF0000, v2  }
0x69: {  	v2 =	vshll.u32 v2, $0x10;
	[tilespmem:s5+$0x20] =	vst v3  }
0x6a: {  	[tilespmem:s5+$0xFFFFFFE0] =	vst v2  }
0x6b: {  	v2 =	vld [tilespmem:s13+$0x173B0];
	_ =	sdelay $0x4  }
0x6c: {  	v3 =	vshll.u32 v2, $0x10  }
0x6d: {  	v2 =	vand.u32 $0xFFFF0000, v2;
	[tilespmem:s5+$0xFFFFFFF0] =	vst v3  }
0x6e: {  	s13 =	simm.s32 $0x40;
	[tilespmem:s5+$0x30] =	vst v2  }
0x6f: {  	v2 =	vld [tilespmem:s13+$0x17380]  }
0x70: {  	s14 =	simm.s32 $0x200;
	s11 =	sor.u32 $0x80, s11  }
.LBB2_8:
0x71: {  	p1 =	sne.s32 s14, $0x7F00;
	_ =	sdelay $0x2  }
0x72: {  	s5 =	sadd.s32 $0x90, s5;
	v3 =	vshll.u32 v2, $0x10  }
0x73: {  	v2 =	vand.u32 $0xFFFF0000, v2;
	[tilespmem:s5+$0xFFFFFFC0] =	vst v3  }
0x74: {  	[tilespmem:s5+$0x0] =	vst v2  }
0x75: {  	v2 =	vld [tilespmem:s13+$0x17390];
	_ =	sdelay $0x4  }
0x76: {  	v3 =	vshll.u32 v2, $0x10  }
0x77: {  	v2 =	vand.u32 $0xFFFF0000, v2;
	[tilespmem:s5+$0xFFFFFFD0] =	vst v3  }
0x78: {  	[tilespmem:s5+$0x10] =	vst v2  }
0x79: {  	v2 =	vld [tilespmem:s13+$0x173A0];
	_ =	sdelay $0x4  }
0x7a: {  	v3 =	vshll.u32 v2, $0x10;
	v2 =	vand.u32 $0xFFFF0000, v2  }
0x7b: {  	[tilespmem:s5+$0x20] =	vst v2  }
0x7c: {  	[tilespmem:s5+$0xFFFFFFE0] =	vst v3  }
0x7d: {  	v2 =	vld [tilespmem:s13+$0x173B0];
	_ =	sdelay $0x4  }
.Ltmp5:
0x7e: {  	v3 =	vshll.u32 v2, $0x10;
	v2 =	vand.u32 $0xFFFF0000, v2;
	(pc) =	sbr.rel @p1 .LBB2_8-.Ltmp5, $4  }
0x7f: {  	[tilespmem:s5+$0xFFFFFFF0] =	vst v3  }
0x80: {  	s13 =	sshra.s32 s14, $0x2;
	[tilespmem:s5+$0x30] =	vst v2  }
0x81: {  	v2 =	vld [tilespmem:s13+$0x17380]  }
0x82: {  	s14 =	sadd.s32 $0x100, s14  }
0x83: {  	_ =	sdelay $0x2  }
0x84: {  	s5 =	sadd.s32 $0x90, s5;
	v3 =	vshll.u32 v2, $0x10  }
0x85: {  	v2 =	vand.u32 $0xFFFF0000, v2;
	[tilespmem:s5+$0xFFFFFFC0] =	vst v3  }
0x86: {  	[tilespmem:s5+$0x0] =	vst v2  }
0x87: {  	v2 =	vld [tilespmem:s13+$0x17390];
	_ =	sdelay $0x4  }
0x88: {  	v3 =	vshll.u32 v2, $0x10  }
0x89: {  	v2 =	vand.u32 $0xFFFF0000, v2;
	[tilespmem:s5+$0xFFFFFFD0] =	vst v3  }
0x8a: {  	[tilespmem:s5+$0x10] =	vst v2  }
0x8b: {  	v2 =	vld [tilespmem:s13+$0x173A0];
	_ =	sdelay $0x4  }
0x8c: {  	v3 =	vand.u32 $0xFFFF0000, v2  }
0x8d: {  	v2 =	vshll.u32 v2, $0x10;
	[tilespmem:s5+$0x20] =	vst v3  }
0x8e: {  	[tilespmem:s5+$0xFFFFFFE0] =	vst v2  }
0x8f: {  	v2 =	vld [tilespmem:s13+$0x173B0];
	_ =	sdelay $0x4  }
0x90: {  	s13 =	sshll.u32 s10, $0xA;
	v3 =	vshll.u32 v2, $0x10  }
0x91: {  	s14 =	sshrl.u32 s13, $0x2;
	v2 =	vand.u32 $0xFFFF0000, v2;
	[tilespmem:s5+$0xFFFFFFF0] =	vst v3  }
0x92: {  	s14 =	sadd.s32 $0x16B80, s14;
	[tilespmem:s5+$0x30] =	vst v2  }
0x93: {  	[spmem:s2] =	stream.indirect.scatter.add.f32 [tilespmem:s20], [sflag:$0x3], $0x90, s14, s24, $0xb8;
	[tilespmem:$0x1FB80] =	vst v63  }
0x94: {  	p1 =	seq.s32 s10, $0x7;
	_ =	swait.ge [sflag:s29], $0x2000  }
0x95: {  	s5 =	sshrl.u32 @!p1 s13, $0x2;
	s13 =	simm.s32 @!p1 $0x80;
	[sflag:s29] =	ssyncset.done $0x0  }
0x96: {  	s5 =	sadd.s32 @!p1 $0x16480, s5;
	s14 =	simm.s32 @!p1 $0x17380;
	[sflag:s29] =	ssyncadd.s32 $0xFFFFE000  }
0x97: {  	[tilespmem:s14], [sflag:$0x1] =	stream.indirect.gather @!p1 [hbm4b:s1+s13], $0x40, s5, s13, $0xb8;
	[tilespmem:$0x1FB80] =	vst v63  }
0x98: {  	_ =	swait.ge [sflag:s30], $0x4800  }
0x99: {  	[sflag:s30] =	ssyncset.done $0x0  }
0x9a: {  	s14 =	simm.s32 $0x0;
	[sflag:s30] =	ssyncadd.s32 $0xFFFFB800  }
0x9b: {  	v2 =	vld [tilespmem:s14+$0x19380];
	_ =	sdelay $0x4  }
0x9c: {  	s5 =	simm.s32 $0x1B3C0;
	v3 =	vshll.u32 v2, $0x10  }
0x9d: {  	v2 =	vand.u32 $0xFFFF0000, v2;
	[tilespmem:s5+$0xFFFFFFC0] =	vst v3  }
0x9e: {  	[tilespmem:s5+$0x0] =	vst v2  }
0x9f: {  	v2 =	vld [tilespmem:s14+$0x19390];
	_ =	sdelay $0x4  }
0xa0: {  	v3 =	vshll.u32 v2, $0x10  }
0xa1: {  	v2 =	vand.u32 $0xFFFF0000, v2;
	[tilespmem:s5+$0xFFFFFFD0] =	vst v3  }
0xa2: {  	[tilespmem:s5+$0x10] =	vst v2  }
0xa3: {  	v2 =	vld [tilespmem:s14+$0x193A0];
	_ =	sdelay $0x4  }
0xa4: {  	v3 =	vand.u32 $0xFFFF0000, v2  }
0xa5: {  	v2 =	vshll.u32 v2, $0x10;
	[tilespmem:s5+$0x20] =	vst v3  }
0xa6: {  	[tilespmem:s5+$0xFFFFFFE0] =	vst v2  }
0xa7: {  	v2 =	vld [tilespmem:s14+$0x193B0];
	_ =	sdelay $0x4  }
0xa8: {  	v3 =	vshll.u32 v2, $0x10  }
0xa9: {  	v2 =	vand.u32 $0xFFFF0000, v2;
	[tilespmem:s5+$0xFFFFFFF0] =	vst v3  }
0xaa: {  	s13 =	simm.s32 $0x40;
	[tilespmem:s5+$0x30] =	vst v2  }
0xab: {  	v2 =	vld [tilespmem:s13+$0x19380]  }
0xac: {  	s14 =	simm.s32 $0x200  }
.LBB2_10:
0xad: {  	p1 =	sne.s32 s14, $0x7F00;
	_ =	sdelay $0x2  }
0xae: {  	s5 =	sadd.s32 $0x90, s5;
	v3 =	vshll.u32 v2, $0x10  }
0xaf: {  	v2 =	vand.u32 $0xFFFF0000, v2;
	[tilespmem:s5+$0xFFFFFFC0] =	vst v3  }
0xb0: {  	[tilespmem:s5+$0x0] =	vst v2  }
0xb1: {  	v2 =	vld [tilespmem:s13+$0x19390];
	_ =	sdelay $0x4  }
0xb2: {  	v3 =	vshll.u32 v2, $0x10  }
0xb3: {  	v2 =	vand.u32 $0xFFFF0000, v2;
	[tilespmem:s5+$0xFFFFFFD0] =	vst v3  }
0xb4: {  	[tilespmem:s5+$0x10] =	vst v2  }
0xb5: {  	v2 =	vld [tilespmem:s13+$0x193A0];
	_ =	sdelay $0x4  }
0xb6: {  	v3 =	vshll.u32 v2, $0x10;
	v2 =	vand.u32 $0xFFFF0000, v2  }
0xb7: {  	[tilespmem:s5+$0x20] =	vst v2  }
0xb8: {  	[tilespmem:s5+$0xFFFFFFE0] =	vst v3  }
0xb9: {  	v2 =	vld [tilespmem:s13+$0x193B0];
	_ =	sdelay $0x4  }
.Ltmp6:
0xba: {  	v3 =	vshll.u32 v2, $0x10;
	v2 =	vand.u32 $0xFFFF0000, v2;
	(pc) =	sbr.rel @p1 .LBB2_10-.Ltmp6, $4  }
0xbb: {  	[tilespmem:s5+$0xFFFFFFF0] =	vst v3  }
0xbc: {  	s13 =	sshra.s32 s14, $0x2;
	[tilespmem:s5+$0x30] =	vst v2  }
0xbd: {  	v2 =	vld [tilespmem:s13+$0x19380]  }
0xbe: {  	s14 =	sadd.s32 $0x100, s14  }
0xbf: {  	_ =	sdelay $0x2  }
0xc0: {  	s5 =	sadd.s32 $0x90, s5;
	v3 =	vshll.u32 v2, $0x10  }
0xc1: {  	v2 =	vand.u32 $0xFFFF0000, v2;
	[tilespmem:s5+$0xFFFFFFC0] =	vst v3  }
0xc2: {  	[tilespmem:s5+$0x0] =	vst v2  }
0xc3: {  	v2 =	vld [tilespmem:s13+$0x19390];
	_ =	sdelay $0x4  }
0xc4: {  	v3 =	vshll.u32 v2, $0x10  }
0xc5: {  	v2 =	vand.u32 $0xFFFF0000, v2;
	[tilespmem:s5+$0xFFFFFFD0] =	vst v3  }
0xc6: {  	[tilespmem:s5+$0x10] =	vst v2  }
0xc7: {  	v2 =	vld [tilespmem:s13+$0x193A0];
	_ =	sdelay $0x4  }
0xc8: {  	v3 =	vand.u32 $0xFFFF0000, v2  }
0xc9: {  	v2 =	vshll.u32 v2, $0x10;
	[tilespmem:s5+$0x20] =	vst v3  }
0xca: {  	[tilespmem:s5+$0xFFFFFFE0] =	vst v2  }
0xcb: {  	v2 =	vld [tilespmem:s13+$0x193B0];
	_ =	sdelay $0x1  }
0xcc: {  	s10 =	sadd.s32 $0x1, s10  }
0xcd: {  	p1 =	sne.s32 s10, $0x8  }
.Ltmp7:
0xce: {  	_ = 	snop;
	(pc) =	sbr.rel @p1 .LBB2_7-.Ltmp7, $4  }
0xcf: {  	v3 =	vshll.u32 v2, $0x10  }
0xd0: {  	v2 =	vand.u32 $0xFFFF0000, v2;
	[tilespmem:s5+$0xFFFFFFF0] =	vst v3  }
0xd1: {  	s14 =	sadd.s32 $0x16B80, s11;
	[tilespmem:s5+$0x30] =	vst v2  }
0xd2: {  	[spmem:s2] =	stream.indirect.scatter.add.f32 [tilespmem:s20], [sflag:$0x3], $0x90, s14, s24, $0xb8;
	[tilespmem:$0x1FB80] =	vst v63  }
0xd3: {  	s0 =	sadd.s32 $0x1, s0  }
0xd4: {  	p1 =	seq.s32 s0, $0xA  }
.Ltmp8:
0xd5: {  	_ = 	snop;
	(pc) =	sbr.rel @!p1 .LBB2_6-.Ltmp8, $4  }
0xd6: {  	_ = 	snop  }
0xd7: {  	_ =	swait.ge [sflag:s30], $0x4800  }
0xd8: {  	[sflag:s30] =	ssyncset.done $0x0  }
0xd9: {  	[sflag:s30] =	ssyncadd.s32 $0xFFFFB800  }
.Ltmp9:
0xda: {  	(pc) =	sbr.rel .LBB2_22-.Ltmp9, $2  }
0xdb: {  	_ =	sdelay $0x2  }
0xdc: {  	s0 =	rddreg [dreg:$0x4]  }
.LBB2_14:
0xdd: {  	s0 =	sshll.u32 s10, $0xB  }
0xde: {  	s0 =	sadd.s32 s17, s0  }
0xdf: {  	s0 =	sshrl.u32 s0, $0x3  }
0xe0: {  	s5 =	sadd.s32 s8, s0  }
0xe1: {  	[tilespmem:s22], [sflag:$0x4] =	stream.linear.gather [hbm4b:s5+s31], $0x800, $0x38;
	[tilespmem:$0x1FB80] =	vst v63  }
0xe2: {  	_ =	swait.ge [sflag:s21], $0x800  }
0xe3: {  	[sflag:s21] =	ssyncset.done $0x0  }
0xe4: {  	s0 =	sadd.s32 s9, s0;
	[sflag:s21] =	ssyncadd.s32 $0xFFFFF800  }
0xe5: {  	[tilespmem:s23], [sflag:$0x4] =	stream.linear.gather [hbm4b:s0+s31], $0x800, $0x38;
	[tilespmem:$0x1FB80] =	vst v63  }
0xe6: {  	_ =	swait.ge [sflag:s21], $0x800  }
0xe7: {  	[sflag:s21] =	ssyncset.done $0x0  }
0xe8: {  	s0 =	simm.s32 $0x0;
	[sflag:s21] =	ssyncadd.s32 $0xFFFFF800  }
0xe9: {  	[tilespmem:s25], [sflag:$0x1] =	stream.indirect.gather [hbm4b:s4+s24], $0x40, s22, s24, $0xb8;
	[tilespmem:$0x1FB80] =	vst v63  }
.LBB2_15:
0xea: {  	_ =	swait.ge [sflag:s26], $0x2000  }
0xeb: {  	s11 =	sshll.u32 s0, $0x8;
	[sflag:s26] =	ssyncset.done $0x0  }
0xec: {  	p1 =	seq.s32 s0, $0x0;
	s5 =	sadd.s32 $0x16400, s11;
	[sflag:s26] =	ssyncadd.s32 $0xFFFFE000  }
0xed: {  	[tilespmem:s28], [sflag:$0x2] =	stream.indirect.gather [hbm4b:s4+s24], $0x40, s5, s24, $0xb8;
	[tilespmem:$0x1FB80] =	vst v63  }
0xee: {  	s5 =	simm.s32 @!p1 $0x3  }
0xef: {  	_ =	swait.ge @!p1 [sflag:s5], $0x4800  }
0xf0: {  	[sflag:s5] =	ssyncset.done @!p1 $0x0  }
0xf1: {  	s13 =	simm.s32 $0x0;
	[sflag:s5] =	ssyncadd.s32 @!p1 $0xFFFFB800  }
0xf2: {  	v2 =	vld [tilespmem:s13+$0x17380];
	_ =	sdelay $0x4  }
0xf3: {  	s5 =	simm.s32 $0x1B3C0;
	v3 =	vshll.u32 v2, $0x10  }
0xf4: {  	v2 =	vand.u32 $0xFFFF0000, v2;
	[tilespmem:s5+$0xFFFFFFC0] =	vst v3  }
0xf5: {  	[tilespmem:s5+$0x0] =	vst v2  }
0xf6: {  	v2 =	vld [tilespmem:s13+$0x17390];
	_ =	sdelay $0x4  }
0xf7: {  	v3 =	vshll.u32 v2, $0x10  }
0xf8: {  	v2 =	vand.u32 $0xFFFF0000, v2;
	[tilespmem:s5+$0xFFFFFFD0] =	vst v3  }
0xf9: {  	[tilespmem:s5+$0x10] =	vst v2  }
0xfa: {  	v2 =	vld [tilespmem:s13+$0x173A0];
	_ =	sdelay $0x4  }
0xfb: {  	v3 =	vand.u32 $0xFFFF0000, v2  }
0xfc: {  	v2 =	vshll.u32 v2, $0x10;
	[tilespmem:s5+$0x20] =	vst v3  }
0xfd: {  	[tilespmem:s5+$0xFFFFFFE0] =	vst v2  }
0xfe: {  	v2 =	vld [tilespmem:s13+$0x173B0];
	_ =	sdelay $0x4  }
0xff: {  	v3 =	vshll.u32 v2, $0x10  }
0x100: {  	v2 =	vand.u32 $0xFFFF0000, v2;
	[tilespmem:s5+$0xFFFFFFF0] =	vst v3  }
0x101: {  	s13 =	simm.s32 $0x40;
	[tilespmem:s5+$0x30] =	vst v2  }
0x102: {  	v2 =	vld [tilespmem:s13+$0x17380]  }
0x103: {  	s14 =	simm.s32 $0x200;
	s11 =	sor.u32 $0x80, s11  }
.LBB2_16:
0x104: {  	p1 =	sne.s32 s14, $0x7F00;
	_ =	sdelay $0x2  }
0x105: {  	s5 =	sadd.s32 $0x90, s5;
	v3 =	vshll.u32 v2, $0x10  }
0x106: {  	v2 =	vand.u32 $0xFFFF0000, v2;
	[tilespmem:s5+$0xFFFFFFC0] =	vst v3  }
0x107: {  	[tilespmem:s5+$0x0] =	vst v2  }
0x108: {  	v2 =	vld [tilespmem:s13+$0x17390];
	_ =	sdelay $0x4  }
0x109: {  	v3 =	vshll.u32 v2, $0x10  }
0x10a: {  	v2 =	vand.u32 $0xFFFF0000, v2;
	[tilespmem:s5+$0xFFFFFFD0] =	vst v3  }
0x10b: {  	[tilespmem:s5+$0x10] =	vst v2  }
0x10c: {  	v2 =	vld [tilespmem:s13+$0x173A0];
	_ =	sdelay $0x4  }
0x10d: {  	v3 =	vshll.u32 v2, $0x10;
	v2 =	vand.u32 $0xFFFF0000, v2  }
0x10e: {  	[tilespmem:s5+$0x20] =	vst v2  }
0x10f: {  	[tilespmem:s5+$0xFFFFFFE0] =	vst v3  }
0x110: {  	v2 =	vld [tilespmem:s13+$0x173B0];
	_ =	sdelay $0x4  }
.Ltmp10:
0x111: {  	v3 =	vshll.u32 v2, $0x10;
	v2 =	vand.u32 $0xFFFF0000, v2;
	(pc) =	sbr.rel @p1 .LBB2_16-.Ltmp10, $4  }
0x112: {  	[tilespmem:s5+$0xFFFFFFF0] =	vst v3  }
0x113: {  	s13 =	sshra.s32 s14, $0x2;
	[tilespmem:s5+$0x30] =	vst v2  }
0x114: {  	v2 =	vld [tilespmem:s13+$0x17380]  }
0x115: {  	s14 =	sadd.s32 $0x100, s14  }
0x116: {  	_ =	sdelay $0x2  }
0x117: {  	s5 =	sadd.s32 $0x90, s5;
	v3 =	vshll.u32 v2, $0x10  }
0x118: {  	v2 =	vand.u32 $0xFFFF0000, v2;
	[tilespmem:s5+$0xFFFFFFC0] =	vst v3  }
0x119: {  	[tilespmem:s5+$0x0] =	vst v2  }
0x11a: {  	v2 =	vld [tilespmem:s13+$0x17390];
	_ =	sdelay $0x4  }
0x11b: {  	v3 =	vshll.u32 v2, $0x10  }
0x11c: {  	v2 =	vand.u32 $0xFFFF0000, v2;
	[tilespmem:s5+$0xFFFFFFD0] =	vst v3  }
0x11d: {  	[tilespmem:s5+$0x10] =	vst v2  }
0x11e: {  	v2 =	vld [tilespmem:s13+$0x173A0];
	_ =	sdelay $0x4  }
0x11f: {  	v3 =	vand.u32 $0xFFFF0000, v2  }
0x120: {  	v2 =	vshll.u32 v2, $0x10;
	[tilespmem:s5+$0x20] =	vst v3  }
0x121: {  	[tilespmem:s5+$0xFFFFFFE0] =	vst v2  }
0x122: {  	v2 =	vld [tilespmem:s13+$0x173B0];
	_ =	sdelay $0x4  }
0x123: {  	s13 =	sshll.u32 s0, $0xA;
	v3 =	vshll.u32 v2, $0x10  }
0x124: {  	s14 =	sshrl.u32 s13, $0x2;
	v2 =	vand.u32 $0xFFFF0000, v2;
	[tilespmem:s5+$0xFFFFFFF0] =	vst v3  }
0x125: {  	s14 =	sadd.s32 $0x16B80, s14;
	[tilespmem:s5+$0x30] =	vst v2  }
0x126: {  	[spmem:s2] =	stream.indirect.scatter.add.f32 [tilespmem:s20], [sflag:$0x3], $0x90, s14, s24, $0xb8;
	[tilespmem:$0x1FB80] =	vst v63  }
0x127: {  	p1 =	seq.s32 s0, $0x7;
	_ =	swait.ge [sflag:s29], $0x2000  }
0x128: {  	s5 =	sshrl.u32 @!p1 s13, $0x2;
	s13 =	simm.s32 @!p1 $0x80;
	[sflag:s29] =	ssyncset.done $0x0  }
0x129: {  	s5 =	sadd.s32 @!p1 $0x16480, s5;
	s14 =	simm.s32 @!p1 $0x17380;
	[sflag:s29] =	ssyncadd.s32 $0xFFFFE000  }
0x12a: {  	[tilespmem:s14], [sflag:$0x1] =	stream.indirect.gather @!p1 [hbm4b:s4+s13], $0x40, s5, s13, $0xb8;
	[tilespmem:$0x1FB80] =	vst v63  }
0x12b: {  	_ =	swait.ge [sflag:s30], $0x4800  }
0x12c: {  	[sflag:s30] =	ssyncset.done $0x0  }
0x12d: {  	s14 =	simm.s32 $0x0;
	[sflag:s30] =	ssyncadd.s32 $0xFFFFB800  }
0x12e: {  	v2 =	vld [tilespmem:s14+$0x19380];
	_ =	sdelay $0x4  }
0x12f: {  	s5 =	simm.s32 $0x1B3C0;
	v3 =	vshll.u32 v2, $0x10  }
0x130: {  	v2 =	vand.u32 $0xFFFF0000, v2;
	[tilespmem:s5+$0xFFFFFFC0] =	vst v3  }
0x131: {  	[tilespmem:s5+$0x0] =	vst v2  }
0x132: {  	v2 =	vld [tilespmem:s14+$0x19390];
	_ =	sdelay $0x4  }
0x133: {  	v3 =	vshll.u32 v2, $0x10  }
0x134: {  	v2 =	vand.u32 $0xFFFF0000, v2;
	[tilespmem:s5+$0xFFFFFFD0] =	vst v3  }
0x135: {  	[tilespmem:s5+$0x10] =	vst v2  }
0x136: {  	v2 =	vld [tilespmem:s14+$0x193A0];
	_ =	sdelay $0x4  }
0x137: {  	v3 =	vand.u32 $0xFFFF0000, v2  }
0x138: {  	v2 =	vshll.u32 v2, $0x10;
	[tilespmem:s5+$0x20] =	vst v3  }
0x139: {  	[tilespmem:s5+$0xFFFFFFE0] =	vst v2  }
0x13a: {  	v2 =	vld [tilespmem:s14+$0x193B0];
	_ =	sdelay $0x4  }
0x13b: {  	v3 =	vshll.u32 v2, $0x10  }
0x13c: {  	v2 =	vand.u32 $0xFFFF0000, v2;
	[tilespmem:s5+$0xFFFFFFF0] =	vst v3  }
0x13d: {  	s13 =	simm.s32 $0x40;
	[tilespmem:s5+$0x30] =	vst v2  }
0x13e: {  	v2 =	vld [tilespmem:s13+$0x19380]  }
0x13f: {  	s14 =	simm.s32 $0x200  }
.LBB2_18:
0x140: {  	p1 =	sne.s32 s14, $0x7F00;
	_ =	sdelay $0x2  }
0x141: {  	s5 =	sadd.s32 $0x90, s5;
	v3 =	vshll.u32 v2, $0x10  }
0x142: {  	v2 =	vand.u32 $0xFFFF0000, v2;
	[tilespmem:s5+$0xFFFFFFC0] =	vst v3  }
0x143: {  	[tilespmem:s5+$0x0] =	vst v2  }
0x144: {  	v2 =	vld [tilespmem:s13+$0x19390];
	_ =	sdelay $0x4  }
0x145: {  	v3 =	vshll.u32 v2, $0x10  }
0x146: {  	v2 =	vand.u32 $0xFFFF0000, v2;
	[tilespmem:s5+$0xFFFFFFD0] =	vst v3  }
0x147: {  	[tilespmem:s5+$0x10] =	vst v2  }
0x148: {  	v2 =	vld [tilespmem:s13+$0x193A0];
	_ =	sdelay $0x4  }
0x149: {  	v3 =	vshll.u32 v2, $0x10;
	v2 =	vand.u32 $0xFFFF0000, v2  }
0x14a: {  	[tilespmem:s5+$0x20] =	vst v2  }
0x14b: {  	[tilespmem:s5+$0xFFFFFFE0] =	vst v3  }
0x14c: {  	v2 =	vld [tilespmem:s13+$0x193B0];
	_ =	sdelay $0x4  }
.Ltmp11:
0x14d: {  	v3 =	vshll.u32 v2, $0x10;
	v2 =	vand.u32 $0xFFFF0000, v2;
	(pc) =	sbr.rel @p1 .LBB2_18-.Ltmp11, $4  }
0x14e: {  	[tilespmem:s5+$0xFFFFFFF0] =	vst v3  }
0x14f: {  	s13 =	sshra.s32 s14, $0x2;
	[tilespmem:s5+$0x30] =	vst v2  }
0x150: {  	v2 =	vld [tilespmem:s13+$0x19380]  }
0x151: {  	s14 =	sadd.s32 $0x100, s14  }
0x152: {  	_ =	sdelay $0x2  }
0x153: {  	s5 =	sadd.s32 $0x90, s5;
	v3 =	vshll.u32 v2, $0x10  }
0x154: {  	v2 =	vand.u32 $0xFFFF0000, v2;
	[tilespmem:s5+$0xFFFFFFC0] =	vst v3  }
0x155: {  	[tilespmem:s5+$0x0] =	vst v2  }
0x156: {  	v2 =	vld [tilespmem:s13+$0x19390];
	_ =	sdelay $0x4  }
0x157: {  	v3 =	vshll.u32 v2, $0x10  }
0x158: {  	v2 =	vand.u32 $0xFFFF0000, v2;
	[tilespmem:s5+$0xFFFFFFD0] =	vst v3  }
0x159: {  	[tilespmem:s5+$0x10] =	vst v2  }
0x15a: {  	v2 =	vld [tilespmem:s13+$0x193A0];
	_ =	sdelay $0x4  }
0x15b: {  	v3 =	vand.u32 $0xFFFF0000, v2  }
0x15c: {  	v2 =	vshll.u32 v2, $0x10;
	[tilespmem:s5+$0x20] =	vst v3  }
0x15d: {  	[tilespmem:s5+$0xFFFFFFE0] =	vst v2  }
0x15e: {  	v2 =	vld [tilespmem:s13+$0x193B0];
	_ =	sdelay $0x1  }
0x15f: {  	s0 =	sadd.s32 $0x1, s0  }
0x160: {  	p1 =	sne.s32 s0, $0x8  }
.Ltmp12:
0x161: {  	_ = 	snop;
	(pc) =	sbr.rel @p1 .LBB2_15-.Ltmp12, $4  }
0x162: {  	v3 =	vshll.u32 v2, $0x10  }
0x163: {  	v2 =	vand.u32 $0xFFFF0000, v2;
	[tilespmem:s5+$0xFFFFFFF0] =	vst v3  }
0x164: {  	s14 =	sadd.s32 $0x16B80, s11;
	[tilespmem:s5+$0x30] =	vst v2  }
0x165: {  	[spmem:s2] =	stream.indirect.scatter.add.f32 [tilespmem:s20], [sflag:$0x3], $0x90, s14, s24, $0xb8;
	[tilespmem:$0x1FB80] =	vst v63  }
0x166: {  	s10 =	sadd.s32 $0x1, s10  }
0x167: {  	p1 =	sne.s32 s10, $0xA  }
.Ltmp13:
0x168: {  	_ = 	snop;
	(pc) =	sbr.rel @p1 .LBB2_14-.Ltmp13, $4  }
0x169: {  	_ = 	snop  }
0x16a: {  	_ =	swait.ge [sflag:s30], $0x4800  }
0x16b: {  	[sflag:s30] =	ssyncset.done $0x0  }
0x16c: {  	[sflag:s30] =	ssyncadd.s32 $0xFFFFB800  }
.Ltmp14:
0x16d: {  	(pc) =	sbr.rel .LBB2_22-.Ltmp14, $2  }
0x16e: {  	_ =	sdelay $0x2  }
0x16f: {  	s0 =	rddreg [dreg:$0x5]  }
.LBB2_23:
0x170: {  	_ =	sfence.sel $0x180000  }
0x171: {  	[bflag:$0x0] =	sbarrier.arrive $0xFFFF  }
0x172: {  	_ =	strace $0x90000047  }
0x173: {  	s0 =	stileid.u32;
	[bflag:$0x2] =	sbarrier.arrive $0xFFFF  }
0x174: {  	p0 =	sne.s32 s0, $0x0;
	s0 =	rddreg [dreg:$0x3]  }
0x175: {  	s0 =	sadd.s32 @!p0 $0x100000, s0  }
0x176: {  	[sflag:s0] =	ssyncadd.tile.s32 @!p0 $0x1;
	_ =	shalt  }
.Lfunc_end2:
_tile_overlayer_lowered:
.L_overlay_start_2:
0x177: {  	(tag) =	ssettag $0x2  }
0x178: {  	s0 =	rddreg [dreg:$0x0];
	s2 =	stileid.u32  }
0x179: {  	s1 =	rddreg [dreg:$0x1];
	p0 =	sne.s32 s2, $0x0  }
0x17a: {  	s3 =	rddreg [dreg:$0x2];
	[bflag:$0x3] =	sbarrier.arrive $0xFFFF;
	s2 =	simm.s32 @!p0 $0x1C04  }
0x17b: {  	[timem:s3], [sflag:s2] =	dma.local @!p0 [hbm:s0], s1  }
0x17c: {  	s0 =	simm.s32 @!p0 $0x4  }
0x17d: {  	_ =	swait.ge @!p0 [sflag:s0], s1  }
0x17e: {  	s1 =	ssub.s32 @!p0 $0x0, s1;
	[sflag:s0] =	ssyncset.done @!p0 $0x0  }
0x17f: {  	[sflag:s0] =	ssyncadd.s32 @!p0 s1  }
0x180: {  	[bflag:$0x3] =	sbarrier.arrive $0xFFFF  }
0x181: {  	_ =	shalt  }

</sc_bundles>
